<compile_context>
chip_gen: v7x
topology: tpu7x:2x2x1
jax: 0.10.2.dev20260603
libtpu: 0.0.44.dev20260713+nightly
codegen_flags: <defaults>
</compile_context>

<pallas_src>
import functools

import jax
import jax.numpy as jnp
from jax import lax
from jax.experimental import pallas as pl
from jax.experimental.pallas import tpu as pltpu
from jax.experimental.pallas import tpu_sc as plsc

NC = 2
NS = 16
NW = NC * NS
CH = 128
NBUF = 4


def _flat_gather(weight, idx3, B, D, cpw):
    rounds = cpw // NBUF
    mesh = plsc.VectorSubcoreMesh(
        core_axis_name="c", subcore_axis_name="s", num_cores=NC, num_subcores=NS
    )

    @functools.partial(
        pl.kernel,
        mesh=mesh,
        out_type=jax.ShapeDtypeStruct((B, D), jnp.float32),
        scratch_types=[
            pltpu.VMEM((cpw, CH), jnp.int32),
            pltpu.VMEM((NBUF, CH, D), jnp.float32),
            pltpu.SemaphoreType.DMA((NBUF,)),
        ],
        compiler_params=pltpu.CompilerParams(use_tc_tiling_on_sc=False),
    )
    def k(table_hbm, idx_hbm, out_hbm, idx_v, bufs, gsem):
        wid = lax.axis_index("s") * NC + lax.axis_index("c")
        pltpu.sync_copy(idx_hbm.at[wid], idx_v)
        base = wid * cpw

        for b in range(NBUF):
            pltpu.make_async_copy(
                table_hbm.at[idx_v.at[b]], bufs.at[b], gsem.at[b]
            ).start()

        def round_body(r, carry):
            for b in range(NBUF):
                j = r * NBUF + b
                pltpu.make_async_copy(
                    table_hbm.at[idx_v.at[j]], bufs.at[b], gsem.at[b]
                ).wait()
                pltpu.sync_copy(bufs.at[b], out_hbm.at[pl.ds((base + j) * CH, CH)])
                pltpu.make_async_copy(
                    table_hbm.at[idx_v.at[j + NBUF]], bufs.at[b], gsem.at[b]
                ).start()
            return carry

        lax.fori_loop(0, rounds - 1, round_body, 0)

        for b in range(NBUF):
            j = (rounds - 1) * NBUF + b
            pltpu.make_async_copy(
                table_hbm.at[idx_v.at[j]], bufs.at[b], gsem.at[b]
            ).wait()
            pltpu.sync_copy(bufs.at[b], out_hbm.at[pl.ds((base + j) * CH, CH)])

    return k(weight, idx3)


def kernel(indices, weight):
    B = indices.size
    D = weight.shape[1]
    cpw = B // (NW * CH)
    idx3 = indices.reshape(NW, cpw, CH).astype(jnp.int32)
    out = _flat_gather(weight, idx3, B, D, cpw)
    return out.reshape(indices.shape + (D,))

# --- scband reference (transcript-rebuilt; emitter-appended) ---
"""Pipeline reference for scband-sparse-embedding-30279519437288 (READ-ONLY COPY).

The authoritative reference and input builder live on the scoring server;
editing this copy changes nothing except your own understanding.
"""

import jax, jax.numpy as jnp
import numpy as np

NUM_EMBEDDINGS = 1000000
EMBEDDING_DIM = 64
STD = 0.01

def setup_inputs(seed: int = 0) -> dict:
    key = jax.random.key(seed)
    k_idx, k_w = jax.random.split(key)
    indices = jax.random.randint(k_idx, (16384, 26), 0, NUM_EMBEDDINGS, dtype=jnp.int64)
    weight = jax.random.normal(k_w, (NUM_EMBEDDINGS, EMBEDDING_DIM), dtype=jnp.float32) * STD
    return {"indices": indices, "weight": weight}

def reference(indices, weight):
    # Faithful to SparseEmbedding.forward: flatten indices, gather rows,
    # cast to output dtype (float32), reshape to indices.shape + (embedding_dim,).
    flat_indices = indices.reshape(-1)
    output = jnp.take(weight, flat_indices, axis=0).astype(jnp.float32)
    output_shape = indices.shape + (weight.shape[1],)
    return output.reshape(output_shape)

if __name__ == "__main__":
    import jax
    _d = setup_inputs()
    print(jax.jit(kernel)(*tuple(_d.values())))

</pallas_src>

<mosaic_0001>
#map = affine_map<(d0, d1) -> (0, 0)>
#map1 = affine_map<(d0, d1) -> (0, 0, 0)>
module attributes {stable_mosaic.version = 14 : i64} {
  func.func @k(%arg0: i32, %arg1: i32, %arg2: memref<1000000x64xf32, #tpu.memory_space<hbm>>, %arg3: memref<32x104x128xi32, #tpu.memory_space<hbm>>, %arg4: memref<425984x64xf32, #tpu.memory_space<hbm>>, %arg5: memref<104x128xi32, #tpu.memory_space<vmem>>, %arg6: memref<4x128x64xf32, #tpu.memory_space<vmem>>, %arg7: memref<4x!tpu.dma_semaphore, #tpu.memory_space<semaphore_mem>>) attributes {dimension_semantics = [#tpu.dimension_semantics<core_parallel>, #tpu.dimension_semantics<subcore_parallel>], iteration_bounds = array<i64: 2, 16>, scalar_prefetch = 0 : i64, scratch_operands = 3 : i64, tpu.core_type = #tpu.core_type<sc_vector_subcore>, window_params = [{transform_indices = #map}, {transform_indices = #map1}, {transform_indices = #map}]} {
    %mul3A = arith.constant 2 : i32
    %mul3A_0 = arith.muli %arg1, %mul3A : i32
    %add3A = arith.addi %mul3A_0, %arg0 : i32
    "tpu.region"() ({
      %run_scoped3A_145 = tpu.sem_alloc : memref<!tpu.dma_semaphore, #tpu.memory_space<semaphore_mem>>
      %dma_start3A_146 = arith.constant 0 : i32
      %dma_start3A_147 = arith.constant 0 : i32
      %dma_start3A_148 = tpu.memref_slice %arg3[%add3A, %dma_start3A_146, %dma_start3A_147] : memref<32x104x128xi32, #tpu.memory_space<hbm>> -> memref<1x104x128xi32, #tpu.memory_space<hbm>>
      %dma_start3A_149 = tpu.memref_squeeze %dma_start3A_148 : memref<1x104x128xi32, #tpu.memory_space<hbm>> -> memref<104x128xi32, #tpu.memory_space<hbm>>
      %dma_start3A_150 = arith.constant 0 : i32
      %dma_start3A_151 = arith.constant 0 : i32
      %dma_start3A_152 = tpu.memref_slice %arg3[%add3A, %dma_start3A_150, %dma_start3A_151] : memref<32x104x128xi32, #tpu.memory_space<hbm>> -> memref<1x104x128xi32, #tpu.memory_space<hbm>>
      %dma_start3A_153 = tpu.memref_squeeze %dma_start3A_152 : memref<1x104x128xi32, #tpu.memory_space<hbm>> -> memref<104x128xi32, #tpu.memory_space<hbm>>
      tpu.enqueue_dma source(%dma_start3A_153 : memref<104x128xi32, #tpu.memory_space<hbm>>) target(%arg5 : memref<104x128xi32, #tpu.memory_space<vmem>>) target_semaphore(%run_scoped3A_145 : memref<!tpu.dma_semaphore, #tpu.memory_space<semaphore_mem>>)
      %dma_wait3A_154 = arith.constant 0 : i32
      %dma_wait3A_155 = arith.constant 0 : i32
      %dma_wait3A_156 = tpu.memref_slice %arg3[%add3A, %dma_wait3A_154, %dma_wait3A_155] : memref<32x104x128xi32, #tpu.memory_space<hbm>> -> memref<1x104x128xi32, #tpu.memory_space<hbm>>
      %dma_wait3A_157 = tpu.memref_squeeze %dma_wait3A_156 : memref<1x104x128xi32, #tpu.memory_space<hbm>> -> memref<104x128xi32, #tpu.memory_space<hbm>>
      %dma_wait3A_158 = arith.constant 0 : i32
      %dma_wait3A_159 = arith.constant 0 : i32
      %dma_wait3A_160 = tpu.memref_slice %arg3[%add3A, %dma_wait3A_158, %dma_wait3A_159] : memref<32x104x128xi32, #tpu.memory_space<hbm>> -> memref<1x104x128xi32, #tpu.memory_space<hbm>>
      %dma_wait3A_161 = tpu.memref_squeeze %dma_wait3A_160 : memref<1x104x128xi32, #tpu.memory_space<hbm>> -> memref<104x128xi32, #tpu.memory_space<hbm>>
      tpu.wait_dma2 semaphore(%run_scoped3A_145 : memref<!tpu.dma_semaphore, #tpu.memory_space<semaphore_mem>>) src(%dma_wait3A_161 : memref<104x128xi32, #tpu.memory_space<hbm>>) dst(%arg5 : memref<104x128xi32, #tpu.memory_space<vmem>>)
      tpu.yield
    }) : () -> ()
    %mul3A_1 = arith.constant 104 : i32
    %mul3A_2 = arith.muli %add3A, %mul3A_1 : i32
    %dma_start3A = arith.constant 0 : i32
    %dma_start3A_3 = arith.constant 0 : i32
    %dma_start3A_4 = arith.constant 0 : i32
    %dma_start3A_5 = arith.constant 0 : i32
    %dma_start3A_6 = arith.constant 0 : i32
    %dma_start3A_7 = tpu.memref_slice %arg6[%dma_start3A_3, %dma_start3A_5, %dma_start3A_6] : memref<4x128x64xf32, #tpu.memory_space<vmem>> -> memref<1x128x64xf32, #tpu.memory_space<vmem>>
    %dma_start3A_8 = tpu.memref_squeeze %dma_start3A_7 : memref<1x128x64xf32, #tpu.memory_space<vmem>> -> memref<128x64xf32, #tpu.memory_space<vmem>>
    %dma_start3A_9 = arith.constant 0 : i32
    %dma_start3A_10 = tpu.memref_slice %arg5[%dma_start3A, %dma_start3A_9] : memref<104x128xi32, #tpu.memory_space<vmem>> -> memref<1x128xi32, #tpu.memory_space<vmem>>
    %dma_start3A_11 = tpu.memref_squeeze %dma_start3A_10 : memref<1x128xi32, #tpu.memory_space<vmem>> -> memref<128xi32, #tpu.memory_space<vmem>>
    %dma_start3A_12 = arith.constant 0 : i32
    %dma_start3A_13 = arith.constant 0 : i32
    %dma_start3A_14 = tpu.memref_slice %arg2[%dma_start3A_12, %dma_start3A_13] : memref<1000000x64xf32, #tpu.memory_space<hbm>> -> memref<1000000x64xf32, #tpu.memory_space<hbm>>
    %dma_start3A_15 = tpu.memref_slice %arg7[%dma_start3A_4] : memref<4x!tpu.dma_semaphore, #tpu.memory_space<semaphore_mem>> -> memref<1x!tpu.dma_semaphore, #tpu.memory_space<semaphore_mem>>
    %dma_start3A_16 = tpu.memref_squeeze %dma_start3A_15 : memref<1x!tpu.dma_semaphore, #tpu.memory_space<semaphore_mem>> -> memref<!tpu.dma_semaphore, #tpu.memory_space<semaphore_mem>>
    tpu.enqueue_indirect_dma source(%dma_start3A_14 : memref<1000000x64xf32, #tpu.memory_space<hbm>>) target(%dma_start3A_8 : memref<128x64xf32, #tpu.memory_space<vmem>>) offsets(%dma_start3A_11 : memref<128xi32, #tpu.memory_space<vmem>>) semaphore(%dma_start3A_16 : memref<!tpu.dma_semaphore, #tpu.memory_space<semaphore_mem>>)
    %dma_start3A_17 = arith.constant 1 : i32
    %dma_start3A_18 = arith.constant 1 : i32
    %dma_start3A_19 = arith.constant 1 : i32
    %dma_start3A_20 = arith.constant 0 : i32
    %dma_start3A_21 = arith.constant 0 : i32
    %dma_start3A_22 = tpu.memref_slice %arg6[%dma_start3A_18, %dma_start3A_20, %dma_start3A_21] : memref<4x128x64xf32, #tpu.memory_space<vmem>> -> memref<1x128x64xf32, #tpu.memory_space<vmem>>
    %dma_start3A_23 = tpu.memref_squeeze %dma_start3A_22 : memref<1x128x64xf32, #tpu.memory_space<vmem>> -> memref<128x64xf32, #tpu.memory_space<vmem>>
    %dma_start3A_24 = arith.constant 0 : i32
    %dma_start3A_25 = tpu.memref_slice %arg5[%dma_start3A_17, %dma_start3A_24] : memref<104x128xi32, #tpu.memory_space<vmem>> -> memref<1x128xi32, #tpu.memory_space<vmem>>
    %dma_start3A_26 = tpu.memref_squeeze %dma_start3A_25 : memref<1x128xi32, #tpu.memory_space<vmem>> -> memref<128xi32, #tpu.memory_space<vmem>>
    %dma_start3A_27 = arith.constant 0 : i32
    %dma_start3A_28 = arith.constant 0 : i32
    %dma_start3A_29 = tpu.memref_slice %arg2[%dma_start3A_27, %dma_start3A_28] : memref<1000000x64xf32, #tpu.memory_space<hbm>> -> memref<1000000x64xf32, #tpu.memory_space<hbm>>
    %dma_start3A_30 = tpu.memref_slice %arg7[%dma_start3A_19] : memref<4x!tpu.dma_semaphore, #tpu.memory_space<semaphore_mem>> -> memref<1x!tpu.dma_semaphore, #tpu.memory_space<semaphore_mem>>
    %dma_start3A_31 = tpu.memref_squeeze %dma_start3A_30 : memref<1x!tpu.dma_semaphore, #tpu.memory_space<semaphore_mem>> -> memref<!tpu.dma_semaphore, #tpu.memory_space<semaphore_mem>>
    tpu.enqueue_indirect_dma source(%dma_start3A_29 : memref<1000000x64xf32, #tpu.memory_space<hbm>>) target(%dma_start3A_23 : memref<128x64xf32, #tpu.memory_space<vmem>>) offsets(%dma_start3A_26 : memref<128xi32, #tpu.memory_space<vmem>>) semaphore(%dma_start3A_31 : memref<!tpu.dma_semaphore, #tpu.memory_space<semaphore_mem>>)
    %dma_start3A_32 = arith.constant 2 : i32
    %dma_start3A_33 = arith.constant 2 : i32
    %dma_start3A_34 = arith.constant 2 : i32
    %dma_start3A_35 = arith.constant 0 : i32
    %dma_start3A_36 = arith.constant 0 : i32
    %dma_start3A_37 = tpu.memref_slice %arg6[%dma_start3A_33, %dma_start3A_35, %dma_start3A_36] : memref<4x128x64xf32, #tpu.memory_space<vmem>> -> memref<1x128x64xf32, #tpu.memory_space<vmem>>
    %dma_start3A_38 = tpu.memref_squeeze %dma_start3A_37 : memref<1x128x64xf32, #tpu.memory_space<vmem>> -> memref<128x64xf32, #tpu.memory_space<vmem>>
    %dma_start3A_39 = arith.constant 0 : i32
    %dma_start3A_40 = tpu.memref_slice %arg5[%dma_start3A_32, %dma_start3A_39] : memref<104x128xi32, #tpu.memory_space<vmem>> -> memref<1x128xi32, #tpu.memory_space<vmem>>
    %dma_start3A_41 = tpu.memref_squeeze %dma_start3A_40 : memref<1x128xi32, #tpu.memory_space<vmem>> -> memref<128xi32, #tpu.memory_space<vmem>>
    %dma_start3A_42 = arith.constant 0 : i32
    %dma_start3A_43 = arith.constant 0 : i32
    %dma_start3A_44 = tpu.memref_slice %arg2[%dma_start3A_42, %dma_start3A_43] : memref<1000000x64xf32, #tpu.memory_space<hbm>> -> memref<1000000x64xf32, #tpu.memory_space<hbm>>
    %dma_start3A_45 = tpu.memref_slice %arg7[%dma_start3A_34] : memref<4x!tpu.dma_semaphore, #tpu.memory_space<semaphore_mem>> -> memref<1x!tpu.dma_semaphore, #tpu.memory_space<semaphore_mem>>
    %dma_start3A_46 = tpu.memref_squeeze %dma_start3A_45 : memref<1x!tpu.dma_semaphore, #tpu.memory_space<semaphore_mem>> -> memref<!tpu.dma_semaphore, #tpu.memory_space<semaphore_mem>>
    tpu.enqueue_indirect_dma source(%dma_start3A_44 : memref<1000000x64xf32, #tpu.memory_space<hbm>>) target(%dma_start3A_38 : memref<128x64xf32, #tpu.memory_space<vmem>>) offsets(%dma_start3A_41 : memref<128xi32, #tpu.memory_space<vmem>>) semaphore(%dma_start3A_46 : memref<!tpu.dma_semaphore, #tpu.memory_space<semaphore_mem>>)
    %dma_start3A_47 = arith.constant 3 : i32
    %dma_start3A_48 = arith.constant 3 : i32
    %dma_start3A_49 = arith.constant 3 : i32
    %dma_start3A_50 = arith.constant 0 : i32
    %dma_start3A_51 = arith.constant 0 : i32
    %dma_start3A_52 = tpu.memref_slice %arg6[%dma_start3A_48, %dma_start3A_50, %dma_start3A_51] : memref<4x128x64xf32, #tpu.memory_space<vmem>> -> memref<1x128x64xf32, #tpu.memory_space<vmem>>
    %dma_start3A_53 = tpu.memref_squeeze %dma_start3A_52 : memref<1x128x64xf32, #tpu.memory_space<vmem>> -> memref<128x64xf32, #tpu.memory_space<vmem>>
    %dma_start3A_54 = arith.constant 0 : i32
    %dma_start3A_55 = tpu.memref_slice %arg5[%dma_start3A_47, %dma_start3A_54] : memref<104x128xi32, #tpu.memory_space<vmem>> -> memref<1x128xi32, #tpu.memory_space<vmem>>
    %dma_start3A_56 = tpu.memref_squeeze %dma_start3A_55 : memref<1x128xi32, #tpu.memory_space<vmem>> -> memref<128xi32, #tpu.memory_space<vmem>>
    %dma_start3A_57 = arith.constant 0 : i32
    %dma_start3A_58 = arith.constant 0 : i32
    %dma_start3A_59 = tpu.memref_slice %arg2[%dma_start3A_57, %dma_start3A_58] : memref<1000000x64xf32, #tpu.memory_space<hbm>> -> memref<1000000x64xf32, #tpu.memory_space<hbm>>
    %dma_start3A_60 = tpu.memref_slice %arg7[%dma_start3A_49] : memref<4x!tpu.dma_semaphore, #tpu.memory_space<semaphore_mem>> -> memref<1x!tpu.dma_semaphore, #tpu.memory_space<semaphore_mem>>
    %dma_start3A_61 = tpu.memref_squeeze %dma_start3A_60 : memref<1x!tpu.dma_semaphore, #tpu.memory_space<semaphore_mem>> -> memref<!tpu.dma_semaphore, #tpu.memory_space<semaphore_mem>>
    tpu.enqueue_indirect_dma source(%dma_start3A_59 : memref<1000000x64xf32, #tpu.memory_space<hbm>>) target(%dma_start3A_53 : memref<128x64xf32, #tpu.memory_space<vmem>>) offsets(%dma_start3A_56 : memref<128xi32, #tpu.memory_space<vmem>>) semaphore(%dma_start3A_61 : memref<!tpu.dma_semaphore, #tpu.memory_space<semaphore_mem>>)
    %scan3A = arith.constant 0 : i32
    %scan3A_62 = arith.constant 0 : i32
    %scan3A_63 = arith.constant 25 : i32
    %scan3A_64 = arith.addi %scan3A_62, %scan3A_63 : i32
    %scan3A_65 = arith.constant 1 : i32
    scf.for %scan3A_145 = %scan3A_62 to %scan3A_64 step %scan3A_65  : i32 {
      %mul3A_146 = arith.constant 4 : i32
      %mul3A_147 = arith.muli %scan3A_145, %mul3A_146 : i32
      %add3A_148 = arith.constant 0 : i32
      %add3A_149 = arith.addi %mul3A_147, %add3A_148 : i32
      %dma_wait3A_150 = arith.constant 0 : i32
      %dma_wait3A_151 = arith.constant 0 : i32
      %dma_wait3A_152 = arith.constant 0 : i32
      %dma_wait3A_153 = arith.constant 0 : i32
      %dma_wait3A_154 = tpu.memref_slice %arg6[%dma_wait3A_150, %dma_wait3A_152, %dma_wait3A_153] : memref<4x128x64xf32, #tpu.memory_space<vmem>> -> memref<1x128x64xf32, #tpu.memory_space<vmem>>
      %dma_wait3A_155 = tpu.memref_squeeze %dma_wait3A_154 : memref<1x128x64xf32, #tpu.memory_space<vmem>> -> memref<128x64xf32, #tpu.memory_space<vmem>>
      %dma_wait3A_156 = arith.constant 0 : i32
      %dma_wait3A_157 = tpu.memref_slice %arg5[%add3A_149, %dma_wait3A_156] : memref<104x128xi32, #tpu.memory_space<vmem>> -> memref<1x128xi32, #tpu.memory_space<vmem>>
      %dma_wait3A_158 = tpu.memref_squeeze %dma_wait3A_157 : memref<1x128xi32, #tpu.memory_space<vmem>> -> memref<128xi32, #tpu.memory_space<vmem>>
      %dma_wait3A_159 = arith.constant 0 : i32
      %dma_wait3A_160 = arith.constant 0 : i32
      %dma_wait3A_161 = tpu.memref_slice %arg2[%dma_wait3A_159, %dma_wait3A_160] : memref<1000000x64xf32, #tpu.memory_space<hbm>> -> memref<1000000x64xf32, #tpu.memory_space<hbm>>
      %dma_wait3A_162 = tpu.memref_slice %arg7[%dma_wait3A_151] : memref<4x!tpu.dma_semaphore, #tpu.memory_space<semaphore_mem>> -> memref<1x!tpu.dma_semaphore, #tpu.memory_space<semaphore_mem>>
      %dma_wait3A_163 = tpu.memref_squeeze %dma_wait3A_162 : memref<1x!tpu.dma_semaphore, #tpu.memory_space<semaphore_mem>> -> memref<!tpu.dma_semaphore, #tpu.memory_space<semaphore_mem>>
      tpu.wait_indirect_dma semaphore(%dma_wait3A_163 : memref<!tpu.dma_semaphore, #tpu.memory_space<semaphore_mem>>) src(%dma_wait3A_161 : memref<1000000x64xf32, #tpu.memory_space<hbm>>) dst(%dma_wait3A_155 : memref<128x64xf32, #tpu.memory_space<vmem>>)
      %add3A_164 = arith.addi %mul3A_2, %add3A_149 : i32
      %mul3A_165 = arith.constant 128 : i32
      %mul3A_166 = arith.muli %add3A_164, %mul3A_165 : i32
      %run_scoped3A_167 = arith.constant 0 : i32
      "tpu.region"() ({
        %run_scoped3A_298 = tpu.sem_alloc : memref<!tpu.dma_semaphore, #tpu.memory_space<semaphore_mem>>
        %dma_start3A_299 = arith.constant 0 : i32
        %dma_start3A_300 = arith.constant 0 : i32
        %dma_start3A_301 = tpu.memref_slice %arg6[%run_scoped3A_167, %dma_start3A_299, %dma_start3A_300] : memref<4x128x64xf32, #tpu.memory_space<vmem>> -> memref<1x128x64xf32, #tpu.memory_space<vmem>>
        %dma_start3A_302 = tpu.memref_squeeze %dma_start3A_301 : memref<1x128x64xf32, #tpu.memory_space<vmem>> -> memref<128x64xf32, #tpu.memory_space<vmem>>
        %dma_start3A_303 = arith.constant 0 : i32
        %dma_start3A_304 = tpu.memref_slice %arg4[%mul3A_166, %dma_start3A_303] : memref<425984x64xf32, #tpu.memory_space<hbm>> -> memref<128x64xf32, #tpu.memory_space<hbm>>
        %dma_start3A_305 = arith.constant 0 : i32
        %dma_start3A_306 = tpu.memref_slice %arg4[%mul3A_166, %dma_start3A_305] : memref<425984x64xf32, #tpu.memory_space<hbm>> -> memref<128x64xf32, #tpu.memory_space<hbm>>
        %dma_start3A_307 = arith.constant 0 : i32
        %dma_start3A_308 = arith.constant 0 : i32
        %dma_start3A_309 = tpu.memref_slice %arg6[%run_scoped3A_167, %dma_start3A_307, %dma_start3A_308] : memref<4x128x64xf32, #tpu.memory_space<vmem>> -> memref<1x128x64xf32, #tpu.memory_space<vmem>>
        %dma_start3A_310 = tpu.memref_squeeze %dma_start3A_309 : memref<1x128x64xf32, #tpu.memory_space<vmem>> -> memref<128x64xf32, #tpu.memory_space<vmem>>
        tpu.enqueue_dma source(%dma_start3A_310 : memref<128x64xf32, #tpu.memory_space<vmem>>) target(%dma_start3A_306 : memref<128x64xf32, #tpu.memory_space<hbm>>) target_semaphore(%run_scoped3A_298 : memref<!tpu.dma_semaphore, #tpu.memory_space<semaphore_mem>>)
        %dma_wait3A_311 = arith.constant 0 : i32
        %dma_wait3A_312 = arith.constant 0 : i32
        %dma_wait3A_313 = tpu.memref_slice %arg6[%run_scoped3A_167, %dma_wait3A_311, %dma_wait3A_312] : memref<4x128x64xf32, #tpu.memory_space<vmem>> -> memref<1x128x64xf32, #tpu.memory_space<vmem>>
        %dma_wait3A_314 = tpu.memref_squeeze %dma_wait3A_313 : memref<1x128x64xf32, #tpu.memory_space<vmem>> -> memref<128x64xf32, #tpu.memory_space<vmem>>
        %dma_wait3A_315 = arith.constant 0 : i32
        %dma_wait3A_316 = tpu.memref_slice %arg4[%mul3A_166, %dma_wait3A_315] : memref<425984x64xf32, #tpu.memory_space<hbm>> -> memref<128x64xf32, #tpu.memory_space<hbm>>
        %dma_wait3A_317 = arith.constant 0 : i32
        %dma_wait3A_318 = tpu.memref_slice %arg4[%mul3A_166, %dma_wait3A_317] : memref<425984x64xf32, #tpu.memory_space<hbm>> -> memref<128x64xf32, #tpu.memory_space<hbm>>
        %dma_wait3A_319 = arith.constant 0 : i32
        %dma_wait3A_320 = arith.constant 0 : i32
        %dma_wait3A_321 = tpu.memref_slice %arg6[%run_scoped3A_167, %dma_wait3A_319, %dma_wait3A_320] : memref<4x128x64xf32, #tpu.memory_space<vmem>> -> memref<1x128x64xf32, #tpu.memory_space<vmem>>
        %dma_wait3A_322 = tpu.memref_squeeze %dma_wait3A_321 : memref<1x128x64xf32, #tpu.memory_space<vmem>> -> memref<128x64xf32, #tpu.memory_space<vmem>>
        tpu.wait_dma2 semaphore(%run_scoped3A_298 : memref<!tpu.dma_semaphore, #tpu.memory_space<semaphore_mem>>) src(%dma_wait3A_322 : memref<128x64xf32, #tpu.memory_space<vmem>>) dst(%dma_wait3A_318 : memref<128x64xf32, #tpu.memory_space<hbm>>)
        tpu.yield
      }) : () -> ()
      %add3A_168 = arith.constant 4 : i32
      %add3A_169 = arith.addi %add3A_149, %add3A_168 : i32
      %dma_start3A_170 = arith.constant 0 : i32
      %dma_start3A_171 = arith.constant 0 : i32
      %dma_start3A_172 = arith.constant 0 : i32
      %dma_start3A_173 = arith.constant 0 : i32
      %dma_start3A_174 = tpu.memref_slice %arg6[%dma_start3A_170, %dma_start3A_172, %dma_start3A_173] : memref<4x128x64xf32, #tpu.memory_space<vmem>> -> memref<1x128x64xf32, #tpu.memory_space<vmem>>
      %dma_start3A_175 = tpu.memref_squeeze %dma_start3A_174 : memref<1x128x64xf32, #tpu.memory_space<vmem>> -> memref<128x64xf32, #tpu.memory_space<vmem>>
      %dma_start3A_176 = arith.constant 0 : i32
      %dma_start3A_177 = tpu.memref_slice %arg5[%add3A_169, %dma_start3A_176] : memref<104x128xi32, #tpu.memory_space<vmem>> -> memref<1x128xi32, #tpu.memory_space<vmem>>
      %dma_start3A_178 = tpu.memref_squeeze %dma_start3A_177 : memref<1x128xi32, #tpu.memory_space<vmem>> -> memref<128xi32, #tpu.memory_space<vmem>>
      %dma_start3A_179 = arith.constant 0 : i32
      %dma_start3A_180 = arith.constant 0 : i32
      %dma_start3A_181 = tpu.memref_slice %arg2[%dma_start3A_179, %dma_start3A_180] : memref<1000000x64xf32, #tpu.memory_space<hbm>> -> memref<1000000x64xf32, #tpu.memory_space<hbm>>
      %dma_start3A_182 = tpu.memref_slice %arg7[%dma_start3A_171] : memref<4x!tpu.dma_semaphore, #tpu.memory_space<semaphore_mem>> -> memref<1x!tpu.dma_semaphore, #tpu.memory_space<semaphore_mem>>
      %dma_start3A_183 = tpu.memref_squeeze %dma_start3A_182 : memref<1x!tpu.dma_semaphore, #tpu.memory_space<semaphore_mem>> -> memref<!tpu.dma_semaphore, #tpu.memory_space<semaphore_mem>>
      tpu.enqueue_indirect_dma source(%dma_start3A_181 : memref<1000000x64xf32, #tpu.memory_space<hbm>>) target(%dma_start3A_175 : memref<128x64xf32, #tpu.memory_space<vmem>>) offsets(%dma_start3A_178 : memref<128xi32, #tpu.memory_space<vmem>>) semaphore(%dma_start3A_183 : memref<!tpu.dma_semaphore, #tpu.memory_space<semaphore_mem>>)
      %mul3A_184 = arith.constant 4 : i32
      %mul3A_185 = arith.muli %scan3A_145, %mul3A_184 : i32
      %add3A_186 = arith.constant 1 : i32
      %add3A_187 = arith.addi %mul3A_185, %add3A_186 : i32
      %dma_wait3A_188 = arith.constant 1 : i32
      %dma_wait3A_189 = arith.constant 1 : i32
      %dma_wait3A_190 = arith.constant 0 : i32
      %dma_wait3A_191 = arith.constant 0 : i32
      %dma_wait3A_192 = tpu.memref_slice %arg6[%dma_wait3A_188, %dma_wait3A_190, %dma_wait3A_191] : memref<4x128x64xf32, #tpu.memory_space<vmem>> -> memref<1x128x64xf32, #tpu.memory_space<vmem>>
      %dma_wait3A_193 = tpu.memref_squeeze %dma_wait3A_192 : memref<1x128x64xf32, #tpu.memory_space<vmem>> -> memref<128x64xf32, #tpu.memory_space<vmem>>
      %dma_wait3A_194 = arith.constant 0 : i32
      %dma_wait3A_195 = tpu.memref_slice %arg5[%add3A_187, %dma_wait3A_194] : memref<104x128xi32, #tpu.memory_space<vmem>> -> memref<1x128xi32, #tpu.memory_space<vmem>>
      %dma_wait3A_196 = tpu.memref_squeeze %dma_wait3A_195 : memref<1x128xi32, #tpu.memory_space<vmem>> -> memref<128xi32, #tpu.memory_space<vmem>>
      %dma_wait3A_197 = arith.constant 0 : i32
      %dma_wait3A_198 = arith.constant 0 : i32
      %dma_wait3A_199 = tpu.memref_slice %arg2[%dma_wait3A_197, %dma_wait3A_198] : memref<1000000x64xf32, #tpu.memory_space<hbm>> -> memref<1000000x64xf32, #tpu.memory_space<hbm>>
      %dma_wait3A_200 = tpu.memref_slice %arg7[%dma_wait3A_189] : memref<4x!tpu.dma_semaphore, #tpu.memory_space<semaphore_mem>> -> memref<1x!tpu.dma_semaphore, #tpu.memory_space<semaphore_mem>>
      %dma_wait3A_201 = tpu.memref_squeeze %dma_wait3A_200 : memref<1x!tpu.dma_semaphore, #tpu.memory_space<semaphore_mem>> -> memref<!tpu.dma_semaphore, #tpu.memory_space<semaphore_mem>>
      tpu.wait_indirect_dma semaphore(%dma_wait3A_201 : memref<!tpu.dma_semaphore, #tpu.memory_space<semaphore_mem>>) src(%dma_wait3A_199 : memref<1000000x64xf32, #tpu.memory_space<hbm>>) dst(%dma_wait3A_193 : memref<128x64xf32, #tpu.memory_space<vmem>>)
      %add3A_202 = arith.addi %mul3A_2, %add3A_187 : i32
      %mul3A_203 = arith.constant 128 : i32
      %mul3A_204 = arith.muli %add3A_202, %mul3A_203 : i32
      %run_scoped3A_205 = arith.constant 1 : i32
      "tpu.region"() ({
        %run_scoped3A_298 = tpu.sem_alloc : memref<!tpu.dma_semaphore, #tpu.memory_space<semaphore_mem>>
        %dma_start3A_299 = arith.constant 0 : i32
        %dma_start3A_300 = arith.constant 0 : i32
        %dma_start3A_301 = tpu.memref_slice %arg6[%run_scoped3A_205, %dma_start3A_299, %dma_start3A_300] : memref<4x128x64xf32, #tpu.memory_space<vmem>> -> memref<1x128x64xf32, #tpu.memory_space<vmem>>
        %dma_start3A_302 = tpu.memref_squeeze %dma_start3A_301 : memref<1x128x64xf32, #tpu.memory_space<vmem>> -> memref<128x64xf32, #tpu.memory_space<vmem>>
        %dma_start3A_303 = arith.constant 0 : i32
        %dma_start3A_304 = tpu.memref_slice %arg4[%mul3A_204, %dma_start3A_303] : memref<425984x64xf32, #tpu.memory_space<hbm>> -> memref<128x64xf32, #tpu.memory_space<hbm>>
        %dma_start3A_305 = arith.constant 0 : i32
        %dma_start3A_306 = tpu.memref_slice %arg4[%mul3A_204, %dma_start3A_305] : memref<425984x64xf32, #tpu.memory_space<hbm>> -> memref<128x64xf32, #tpu.memory_space<hbm>>
        %dma_start3A_307 = arith.constant 0 : i32
        %dma_start3A_308 = arith.constant 0 : i32
        %dma_start3A_309 = tpu.memref_slice %arg6[%run_scoped3A_205, %dma_start3A_307, %dma_start3A_308] : memref<4x128x64xf32, #tpu.memory_space<vmem>> -> memref<1x128x64xf32, #tpu.memory_space<vmem>>
        %dma_start3A_310 = tpu.memref_squeeze %dma_start3A_309 : memref<1x128x64xf32, #tpu.memory_space<vmem>> -> memref<128x64xf32, #tpu.memory_space<vmem>>
        tpu.enqueue_dma source(%dma_start3A_310 : memref<128x64xf32, #tpu.memory_space<vmem>>) target(%dma_start3A_306 : memref<128x64xf32, #tpu.memory_space<hbm>>) target_semaphore(%run_scoped3A_298 : memref<!tpu.dma_semaphore, #tpu.memory_space<semaphore_mem>>)
        %dma_wait3A_311 = arith.constant 0 : i32
        %dma_wait3A_312 = arith.constant 0 : i32
        %dma_wait3A_313 = tpu.memref_slice %arg6[%run_scoped3A_205, %dma_wait3A_311, %dma_wait3A_312] : memref<4x128x64xf32, #tpu.memory_space<vmem>> -> memref<1x128x64xf32, #tpu.memory_space<vmem>>
        %dma_wait3A_314 = tpu.memref_squeeze %dma_wait3A_313 : memref<1x128x64xf32, #tpu.memory_space<vmem>> -> memref<128x64xf32, #tpu.memory_space<vmem>>
        %dma_wait3A_315 = arith.constant 0 : i32
        %dma_wait3A_316 = tpu.memref_slice %arg4[%mul3A_204, %dma_wait3A_315] : memref<425984x64xf32, #tpu.memory_space<hbm>> -> memref<128x64xf32, #tpu.memory_space<hbm>>
        %dma_wait3A_317 = arith.constant 0 : i32
        %dma_wait3A_318 = tpu.memref_slice %arg4[%mul3A_204, %dma_wait3A_317] : memref<425984x64xf32, #tpu.memory_space<hbm>> -> memref<128x64xf32, #tpu.memory_space<hbm>>
        %dma_wait3A_319 = arith.constant 0 : i32
        %dma_wait3A_320 = arith.constant 0 : i32
        %dma_wait3A_321 = tpu.memref_slice %arg6[%run_scoped3A_205, %dma_wait3A_319, %dma_wait3A_320] : memref<4x128x64xf32, #tpu.memory_space<vmem>> -> memref<1x128x64xf32, #tpu.memory_space<vmem>>
        %dma_wait3A_322 = tpu.memref_squeeze %dma_wait3A_321 : memref<1x128x64xf32, #tpu.memory_space<vmem>> -> memref<128x64xf32, #tpu.memory_space<vmem>>
        tpu.wait_dma2 semaphore(%run_scoped3A_298 : memref<!tpu.dma_semaphore, #tpu.memory_space<semaphore_mem>>) src(%dma_wait3A_322 : memref<128x64xf32, #tpu.memory_space<vmem>>) dst(%dma_wait3A_318 : memref<128x64xf32, #tpu.memory_space<hbm>>)
        tpu.yield
      }) : () -> ()
      %add3A_206 = arith.constant 4 : i32
      %add3A_207 = arith.addi %add3A_187, %add3A_206 : i32
      %dma_start3A_208 = arith.constant 1 : i32
      %dma_start3A_209 = arith.constant 1 : i32
      %dma_start3A_210 = arith.constant 0 : i32
      %dma_start3A_211 = arith.constant 0 : i32
      %dma_start3A_212 = tpu.memref_slice %arg6[%dma_start3A_208, %dma_start3A_210, %dma_start3A_211] : memref<4x128x64xf32, #tpu.memory_space<vmem>> -> memref<1x128x64xf32, #tpu.memory_space<vmem>>
      %dma_start3A_213 = tpu.memref_squeeze %dma_start3A_212 : memref<1x128x64xf32, #tpu.memory_space<vmem>> -> memref<128x64xf32, #tpu.memory_space<vmem>>
      %dma_start3A_214 = arith.constant 0 : i32
      %dma_start3A_215 = tpu.memref_slice %arg5[%add3A_207, %dma_start3A_214] : memref<104x128xi32, #tpu.memory_space<vmem>> -> memref<1x128xi32, #tpu.memory_space<vmem>>
      %dma_start3A_216 = tpu.memref_squeeze %dma_start3A_215 : memref<1x128xi32, #tpu.memory_space<vmem>> -> memref<128xi32, #tpu.memory_space<vmem>>
      %dma_start3A_217 = arith.constant 0 : i32
      %dma_start3A_218 = arith.constant 0 : i32
      %dma_start3A_219 = tpu.memref_slice %arg2[%dma_start3A_217, %dma_start3A_218] : memref<1000000x64xf32, #tpu.memory_space<hbm>> -> memref<1000000x64xf32, #tpu.memory_space<hbm>>
      %dma_start3A_220 = tpu.memref_slice %arg7[%dma_start3A_209] : memref<4x!tpu.dma_semaphore, #tpu.memory_space<semaphore_mem>> -> memref<1x!tpu.dma_semaphore, #tpu.memory_space<semaphore_mem>>
      %dma_start3A_221 = tpu.memref_squeeze %dma_start3A_220 : memref<1x!tpu.dma_semaphore, #tpu.memory_space<semaphore_mem>> -> memref<!tpu.dma_semaphore, #tpu.memory_space<semaphore_mem>>
      tpu.enqueue_indirect_dma source(%dma_start3A_219 : memref<1000000x64xf32, #tpu.memory_space<hbm>>) target(%dma_start3A_213 : memref<128x64xf32, #tpu.memory_space<vmem>>) offsets(%dma_start3A_216 : memref<128xi32, #tpu.memory_space<vmem>>) semaphore(%dma_start3A_221 : memref<!tpu.dma_semaphore, #tpu.memory_space<semaphore_mem>>)
      %mul3A_222 = arith.constant 4 : i32
      %mul3A_223 = arith.muli %scan3A_145, %mul3A_222 : i32
      %add3A_224 = arith.constant 2 : i32
      %add3A_225 = arith.addi %mul3A_223, %add3A_224 : i32
      %dma_wait3A_226 = arith.constant 2 : i32
      %dma_wait3A_227 = arith.constant 2 : i32
      %dma_wait3A_228 = arith.constant 0 : i32
      %dma_wait3A_229 = arith.constant 0 : i32
      %dma_wait3A_230 = tpu.memref_slice %arg6[%dma_wait3A_226, %dma_wait3A_228, %dma_wait3A_229] : memref<4x128x64xf32, #tpu.memory_space<vmem>> -> memref<1x128x64xf32, #tpu.memory_space<vmem>>
      %dma_wait3A_231 = tpu.memref_squeeze %dma_wait3A_230 : memref<1x128x64xf32, #tpu.memory_space<vmem>> -> memref<128x64xf32, #tpu.memory_space<vmem>>
      %dma_wait3A_232 = arith.constant 0 : i32
      %dma_wait3A_233 = tpu.memref_slice %arg5[%add3A_225, %dma_wait3A_232] : memref<104x128xi32, #tpu.memory_space<vmem>> -> memref<1x128xi32, #tpu.memory_space<vmem>>
      %dma_wait3A_234 = tpu.memref_squeeze %dma_wait3A_233 : memref<1x128xi32, #tpu.memory_space<vmem>> -> memref<128xi32, #tpu.memory_space<vmem>>
      %dma_wait3A_235 = arith.constant 0 : i32
      %dma_wait3A_236 = arith.constant 0 : i32
      %dma_wait3A_237 = tpu.memref_slice %arg2[%dma_wait3A_235, %dma_wait3A_236] : memref<1000000x64xf32, #tpu.memory_space<hbm>> -> memref<1000000x64xf32, #tpu.memory_space<hbm>>
      %dma_wait3A_238 = tpu.memref_slice %arg7[%dma_wait3A_227] : memref<4x!tpu.dma_semaphore, #tpu.memory_space<semaphore_mem>> -> memref<1x!tpu.dma_semaphore, #tpu.memory_space<semaphore_mem>>
      %dma_wait3A_239 = tpu.memref_squeeze %dma_wait3A_238 : memref<1x!tpu.dma_semaphore, #tpu.memory_space<semaphore_mem>> -> memref<!tpu.dma_semaphore, #tpu.memory_space<semaphore_mem>>
      tpu.wait_indirect_dma semaphore(%dma_wait3A_239 : memref<!tpu.dma_semaphore, #tpu.memory_space<semaphore_mem>>) src(%dma_wait3A_237 : memref<1000000x64xf32, #tpu.memory_space<hbm>>) dst(%dma_wait3A_231 : memref<128x64xf32, #tpu.memory_space<vmem>>)
      %add3A_240 = arith.addi %mul3A_2, %add3A_225 : i32
      %mul3A_241 = arith.constant 128 : i32
      %mul3A_242 = arith.muli %add3A_240, %mul3A_241 : i32
      %run_scoped3A_243 = arith.constant 2 : i32
      "tpu.region"() ({
        %run_scoped3A_298 = tpu.sem_alloc : memref<!tpu.dma_semaphore, #tpu.memory_space<semaphore_mem>>
        %dma_start3A_299 = arith.constant 0 : i32
        %dma_start3A_300 = arith.constant 0 : i32
        %dma_start3A_301 = tpu.memref_slice %arg6[%run_scoped3A_243, %dma_start3A_299, %dma_start3A_300] : memref<4x128x64xf32, #tpu.memory_space<vmem>> -> memref<1x128x64xf32, #tpu.memory_space<vmem>>
        %dma_start3A_302 = tpu.memref_squeeze %dma_start3A_301 : memref<1x128x64xf32, #tpu.memory_space<vmem>> -> memref<128x64xf32, #tpu.memory_space<vmem>>
        %dma_start3A_303 = arith.constant 0 : i32
        %dma_start3A_304 = tpu.memref_slice %arg4[%mul3A_242, %dma_start3A_303] : memref<425984x64xf32, #tpu.memory_space<hbm>> -> memref<128x64xf32, #tpu.memory_space<hbm>>
        %dma_start3A_305 = arith.constant 0 : i32
        %dma_start3A_306 = tpu.memref_slice %arg4[%mul3A_242, %dma_start3A_305] : memref<425984x64xf32, #tpu.memory_space<hbm>> -> memref<128x64xf32, #tpu.memory_space<hbm>>
        %dma_start3A_307 = arith.constant 0 : i32
        %dma_start3A_308 = arith.constant 0 : i32
        %dma_start3A_309 = tpu.memref_slice %arg6[%run_scoped3A_243, %dma_start3A_307, %dma_start3A_308] : memref<4x128x64xf32, #tpu.memory_space<vmem>> -> memref<1x128x64xf32, #tpu.memory_space<vmem>>
        %dma_start3A_310 = tpu.memref_squeeze %dma_start3A_309 : memref<1x128x64xf32, #tpu.memory_space<vmem>> -> memref<128x64xf32, #tpu.memory_space<vmem>>
        tpu.enqueue_dma source(%dma_start3A_310 : memref<128x64xf32, #tpu.memory_space<vmem>>) target(%dma_start3A_306 : memref<128x64xf32, #tpu.memory_space<hbm>>) target_semaphore(%run_scoped3A_298 : memref<!tpu.dma_semaphore, #tpu.memory_space<semaphore_mem>>)
        %dma_wait3A_311 = arith.constant 0 : i32
        %dma_wait3A_312 = arith.constant 0 : i32
        %dma_wait3A_313 = tpu.memref_slice %arg6[%run_scoped3A_243, %dma_wait3A_311, %dma_wait3A_312] : memref<4x128x64xf32, #tpu.memory_space<vmem>> -> memref<1x128x64xf32, #tpu.memory_space<vmem>>
        %dma_wait3A_314 = tpu.memref_squeeze %dma_wait3A_313 : memref<1x128x64xf32, #tpu.memory_space<vmem>> -> memref<128x64xf32, #tpu.memory_space<vmem>>
        %dma_wait3A_315 = arith.constant 0 : i32
        %dma_wait3A_316 = tpu.memref_slice %arg4[%mul3A_242, %dma_wait3A_315] : memref<425984x64xf32, #tpu.memory_space<hbm>> -> memref<128x64xf32, #tpu.memory_space<hbm>>
        %dma_wait3A_317 = arith.constant 0 : i32
        %dma_wait3A_318 = tpu.memref_slice %arg4[%mul3A_242, %dma_wait3A_317] : memref<425984x64xf32, #tpu.memory_space<hbm>> -> memref<128x64xf32, #tpu.memory_space<hbm>>
        %dma_wait3A_319 = arith.constant 0 : i32
        %dma_wait3A_320 = arith.constant 0 : i32
        %dma_wait3A_321 = tpu.memref_slice %arg6[%run_scoped3A_243, %dma_wait3A_319, %dma_wait3A_320] : memref<4x128x64xf32, #tpu.memory_space<vmem>> -> memref<1x128x64xf32, #tpu.memory_space<vmem>>
        %dma_wait3A_322 = tpu.memref_squeeze %dma_wait3A_321 : memref<1x128x64xf32, #tpu.memory_space<vmem>> -> memref<128x64xf32, #tpu.memory_space<vmem>>
        tpu.wait_dma2 semaphore(%run_scoped3A_298 : memref<!tpu.dma_semaphore, #tpu.memory_space<semaphore_mem>>) src(%dma_wait3A_322 : memref<128x64xf32, #tpu.memory_space<vmem>>) dst(%dma_wait3A_318 : memref<128x64xf32, #tpu.memory_space<hbm>>)
        tpu.yield
      }) : () -> ()
      %add3A_244 = arith.constant 4 : i32
      %add3A_245 = arith.addi %add3A_225, %add3A_244 : i32
      %dma_start3A_246 = arith.constant 2 : i32
      %dma_start3A_247 = arith.constant 2 : i32
      %dma_start3A_248 = arith.constant 0 : i32
      %dma_start3A_249 = arith.constant 0 : i32
      %dma_start3A_250 = tpu.memref_slice %arg6[%dma_start3A_246, %dma_start3A_248, %dma_start3A_249] : memref<4x128x64xf32, #tpu.memory_space<vmem>> -> memref<1x128x64xf32, #tpu.memory_space<vmem>>
      %dma_start3A_251 = tpu.memref_squeeze %dma_start3A_250 : memref<1x128x64xf32, #tpu.memory_space<vmem>> -> memref<128x64xf32, #tpu.memory_space<vmem>>
      %dma_start3A_252 = arith.constant 0 : i32
      %dma_start3A_253 = tpu.memref_slice %arg5[%add3A_245, %dma_start3A_252] : memref<104x128xi32, #tpu.memory_space<vmem>> -> memref<1x128xi32, #tpu.memory_space<vmem>>
      %dma_start3A_254 = tpu.memref_squeeze %dma_start3A_253 : memref<1x128xi32, #tpu.memory_space<vmem>> -> memref<128xi32, #tpu.memory_space<vmem>>
      %dma_start3A_255 = arith.constant 0 : i32
      %dma_start3A_256 = arith.constant 0 : i32
      %dma_start3A_257 = tpu.memref_slice %arg2[%dma_start3A_255, %dma_start3A_256] : memref<1000000x64xf32, #tpu.memory_space<hbm>> -> memref<1000000x64xf32, #tpu.memory_space<hbm>>
      %dma_start3A_258 = tpu.memref_slice %arg7[%dma_start3A_247] : memref<4x!tpu.dma_semaphore, #tpu.memory_space<semaphore_mem>> -> memref<1x!tpu.dma_semaphore, #tpu.memory_space<semaphore_mem>>
      %dma_start3A_259 = tpu.memref_squeeze %dma_start3A_258 : memref<1x!tpu.dma_semaphore, #tpu.memory_space<semaphore_mem>> -> memref<!tpu.dma_semaphore, #tpu.memory_space<semaphore_mem>>
      tpu.enqueue_indirect_dma source(%dma_start3A_257 : memref<1000000x64xf32, #tpu.memory_space<hbm>>) target(%dma_start3A_251 : memref<128x64xf32, #tpu.memory_space<vmem>>) offsets(%dma_start3A_254 : memref<128xi32, #tpu.memory_space<vmem>>) semaphore(%dma_start3A_259 : memref<!tpu.dma_semaphore, #tpu.memory_space<semaphore_mem>>)
      %mul3A_260 = arith.constant 4 : i32
      %mul3A_261 = arith.muli %scan3A_145, %mul3A_260 : i32
      %add3A_262 = arith.constant 3 : i32
      %add3A_263 = arith.addi %mul3A_261, %add3A_262 : i32
      %dma_wait3A_264 = arith.constant 3 : i32
      %dma_wait3A_265 = arith.constant 3 : i32
      %dma_wait3A_266 = arith.constant 0 : i32
      %dma_wait3A_267 = arith.constant 0 : i32
      %dma_wait3A_268 = tpu.memref_slice %arg6[%dma_wait3A_264, %dma_wait3A_266, %dma_wait3A_267] : memref<4x128x64xf32, #tpu.memory_space<vmem>> -> memref<1x128x64xf32, #tpu.memory_space<vmem>>
      %dma_wait3A_269 = tpu.memref_squeeze %dma_wait3A_268 : memref<1x128x64xf32, #tpu.memory_space<vmem>> -> memref<128x64xf32, #tpu.memory_space<vmem>>
      %dma_wait3A_270 = arith.constant 0 : i32
      %dma_wait3A_271 = tpu.memref_slice %arg5[%add3A_263, %dma_wait3A_270] : memref<104x128xi32, #tpu.memory_space<vmem>> -> memref<1x128xi32, #tpu.memory_space<vmem>>
      %dma_wait3A_272 = tpu.memref_squeeze %dma_wait3A_271 : memref<1x128xi32, #tpu.memory_space<vmem>> -> memref<128xi32, #tpu.memory_space<vmem>>
      %dma_wait3A_273 = arith.constant 0 : i32
      %dma_wait3A_274 = arith.constant 0 : i32
      %dma_wait3A_275 = tpu.memref_slice %arg2[%dma_wait3A_273, %dma_wait3A_274] : memref<1000000x64xf32, #tpu.memory_space<hbm>> -> memref<1000000x64xf32, #tpu.memory_space<hbm>>
      %dma_wait3A_276 = tpu.memref_slice %arg7[%dma_wait3A_265] : memref<4x!tpu.dma_semaphore, #tpu.memory_space<semaphore_mem>> -> memref<1x!tpu.dma_semaphore, #tpu.memory_space<semaphore_mem>>
      %dma_wait3A_277 = tpu.memref_squeeze %dma_wait3A_276 : memref<1x!tpu.dma_semaphore, #tpu.memory_space<semaphore_mem>> -> memref<!tpu.dma_semaphore, #tpu.memory_space<semaphore_mem>>
      tpu.wait_indirect_dma semaphore(%dma_wait3A_277 : memref<!tpu.dma_semaphore, #tpu.memory_space<semaphore_mem>>) src(%dma_wait3A_275 : memref<1000000x64xf32, #tpu.memory_space<hbm>>) dst(%dma_wait3A_269 : memref<128x64xf32, #tpu.memory_space<vmem>>)
      %add3A_278 = arith.addi %mul3A_2, %add3A_263 : i32
      %mul3A_279 = arith.constant 128 : i32
      %mul3A_280 = arith.muli %add3A_278, %mul3A_279 : i32
      %run_scoped3A_281 = arith.constant 3 : i32
      "tpu.region"() ({
        %run_scoped3A_298 = tpu.sem_alloc : memref<!tpu.dma_semaphore, #tpu.memory_space<semaphore_mem>>
        %dma_start3A_299 = arith.constant 0 : i32
        %dma_start3A_300 = arith.constant 0 : i32
        %dma_start3A_301 = tpu.memref_slice %arg6[%run_scoped3A_281, %dma_start3A_299, %dma_start3A_300] : memref<4x128x64xf32, #tpu.memory_space<vmem>> -> memref<1x128x64xf32, #tpu.memory_space<vmem>>
        %dma_start3A_302 = tpu.memref_squeeze %dma_start3A_301 : memref<1x128x64xf32, #tpu.memory_space<vmem>> -> memref<128x64xf32, #tpu.memory_space<vmem>>
        %dma_start3A_303 = arith.constant 0 : i32
        %dma_start3A_304 = tpu.memref_slice %arg4[%mul3A_280, %dma_start3A_303] : memref<425984x64xf32, #tpu.memory_space<hbm>> -> memref<128x64xf32, #tpu.memory_space<hbm>>
        %dma_start3A_305 = arith.constant 0 : i32
        %dma_start3A_306 = tpu.memref_slice %arg4[%mul3A_280, %dma_start3A_305] : memref<425984x64xf32, #tpu.memory_space<hbm>> -> memref<128x64xf32, #tpu.memory_space<hbm>>
        %dma_start3A_307 = arith.constant 0 : i32
        %dma_start3A_308 = arith.constant 0 : i32
        %dma_start3A_309 = tpu.memref_slice %arg6[%run_scoped3A_281, %dma_start3A_307, %dma_start3A_308] : memref<4x128x64xf32, #tpu.memory_space<vmem>> -> memref<1x128x64xf32, #tpu.memory_space<vmem>>
        %dma_start3A_310 = tpu.memref_squeeze %dma_start3A_309 : memref<1x128x64xf32, #tpu.memory_space<vmem>> -> memref<128x64xf32, #tpu.memory_space<vmem>>
        tpu.enqueue_dma source(%dma_start3A_310 : memref<128x64xf32, #tpu.memory_space<vmem>>) target(%dma_start3A_306 : memref<128x64xf32, #tpu.memory_space<hbm>>) target_semaphore(%run_scoped3A_298 : memref<!tpu.dma_semaphore, #tpu.memory_space<semaphore_mem>>)
        %dma_wait3A_311 = arith.constant 0 : i32
        %dma_wait3A_312 = arith.constant 0 : i32
        %dma_wait3A_313 = tpu.memref_slice %arg6[%run_scoped3A_281, %dma_wait3A_311, %dma_wait3A_312] : memref<4x128x64xf32, #tpu.memory_space<vmem>> -> memref<1x128x64xf32, #tpu.memory_space<vmem>>
        %dma_wait3A_314 = tpu.memref_squeeze %dma_wait3A_313 : memref<1x128x64xf32, #tpu.memory_space<vmem>> -> memref<128x64xf32, #tpu.memory_space<vmem>>
        %dma_wait3A_315 = arith.constant 0 : i32
        %dma_wait3A_316 = tpu.memref_slice %arg4[%mul3A_280, %dma_wait3A_315] : memref<425984x64xf32, #tpu.memory_space<hbm>> -> memref<128x64xf32, #tpu.memory_space<hbm>>
        %dma_wait3A_317 = arith.constant 0 : i32
        %dma_wait3A_318 = tpu.memref_slice %arg4[%mul3A_280, %dma_wait3A_317] : memref<425984x64xf32, #tpu.memory_space<hbm>> -> memref<128x64xf32, #tpu.memory_space<hbm>>
        %dma_wait3A_319 = arith.constant 0 : i32
        %dma_wait3A_320 = arith.constant 0 : i32
        %dma_wait3A_321 = tpu.memref_slice %arg6[%run_scoped3A_281, %dma_wait3A_319, %dma_wait3A_320] : memref<4x128x64xf32, #tpu.memory_space<vmem>> -> memref<1x128x64xf32, #tpu.memory_space<vmem>>
        %dma_wait3A_322 = tpu.memref_squeeze %dma_wait3A_321 : memref<1x128x64xf32, #tpu.memory_space<vmem>> -> memref<128x64xf32, #tpu.memory_space<vmem>>
        tpu.wait_dma2 semaphore(%run_scoped3A_298 : memref<!tpu.dma_semaphore, #tpu.memory_space<semaphore_mem>>) src(%dma_wait3A_322 : memref<128x64xf32, #tpu.memory_space<vmem>>) dst(%dma_wait3A_318 : memref<128x64xf32, #tpu.memory_space<hbm>>)
        tpu.yield
      }) : () -> ()
      %add3A_282 = arith.constant 4 : i32
      %add3A_283 = arith.addi %add3A_263, %add3A_282 : i32
      %dma_start3A_284 = arith.constant 3 : i32
      %dma_start3A_285 = arith.constant 3 : i32
      %dma_start3A_286 = arith.constant 0 : i32
      %dma_start3A_287 = arith.constant 0 : i32
      %dma_start3A_288 = tpu.memref_slice %arg6[%dma_start3A_284, %dma_start3A_286, %dma_start3A_287] : memref<4x128x64xf32, #tpu.memory_space<vmem>> -> memref<1x128x64xf32, #tpu.memory_space<vmem>>
      %dma_start3A_289 = tpu.memref_squeeze %dma_start3A_288 : memref<1x128x64xf32, #tpu.memory_space<vmem>> -> memref<128x64xf32, #tpu.memory_space<vmem>>
      %dma_start3A_290 = arith.constant 0 : i32
      %dma_start3A_291 = tpu.memref_slice %arg5[%add3A_283, %dma_start3A_290] : memref<104x128xi32, #tpu.memory_space<vmem>> -> memref<1x128xi32, #tpu.memory_space<vmem>>
      %dma_start3A_292 = tpu.memref_squeeze %dma_start3A_291 : memref<1x128xi32, #tpu.memory_space<vmem>> -> memref<128xi32, #tpu.memory_space<vmem>>
      %dma_start3A_293 = arith.constant 0 : i32
      %dma_start3A_294 = arith.constant 0 : i32
      %dma_start3A_295 = tpu.memref_slice %arg2[%dma_start3A_293, %dma_start3A_294] : memref<1000000x64xf32, #tpu.memory_space<hbm>> -> memref<1000000x64xf32, #tpu.memory_space<hbm>>
      %dma_start3A_296 = tpu.memref_slice %arg7[%dma_start3A_285] : memref<4x!tpu.dma_semaphore, #tpu.memory_space<semaphore_mem>> -> memref<1x!tpu.dma_semaphore, #tpu.memory_space<semaphore_mem>>
      %dma_start3A_297 = tpu.memref_squeeze %dma_start3A_296 : memref<1x!tpu.dma_semaphore, #tpu.memory_space<semaphore_mem>> -> memref<!tpu.dma_semaphore, #tpu.memory_space<semaphore_mem>>
      tpu.enqueue_indirect_dma source(%dma_start3A_295 : memref<1000000x64xf32, #tpu.memory_space<hbm>>) target(%dma_start3A_289 : memref<128x64xf32, #tpu.memory_space<vmem>>) offsets(%dma_start3A_292 : memref<128xi32, #tpu.memory_space<vmem>>) semaphore(%dma_start3A_297 : memref<!tpu.dma_semaphore, #tpu.memory_space<semaphore_mem>>)
    }
    %scan3A_66 = arith.constant 25 : i32
    %dma_wait3A = arith.constant 100 : i32
    %dma_wait3A_67 = arith.constant 0 : i32
    %dma_wait3A_68 = arith.constant 0 : i32
    %dma_wait3A_69 = arith.constant 0 : i32
    %dma_wait3A_70 = arith.constant 0 : i32
    %dma_wait3A_71 = tpu.memref_slice %arg6[%dma_wait3A_67, %dma_wait3A_69, %dma_wait3A_70] : memref<4x128x64xf32, #tpu.memory_space<vmem>> -> memref<1x128x64xf32, #tpu.memory_space<vmem>>
    %dma_wait3A_72 = tpu.memref_squeeze %dma_wait3A_71 : memref<1x128x64xf32, #tpu.memory_space<vmem>> -> memref<128x64xf32, #tpu.memory_space<vmem>>
    %dma_wait3A_73 = arith.constant 0 : i32
    %dma_wait3A_74 = tpu.memref_slice %arg5[%dma_wait3A, %dma_wait3A_73] : memref<104x128xi32, #tpu.memory_space<vmem>> -> memref<1x128xi32, #tpu.memory_space<vmem>>
    %dma_wait3A_75 = tpu.memref_squeeze %dma_wait3A_74 : memref<1x128xi32, #tpu.memory_space<vmem>> -> memref<128xi32, #tpu.memory_space<vmem>>
    %dma_wait3A_76 = arith.constant 0 : i32
    %dma_wait3A_77 = arith.constant 0 : i32
    %dma_wait3A_78 = tpu.memref_slice %arg2[%dma_wait3A_76, %dma_wait3A_77] : memref<1000000x64xf32, #tpu.memory_space<hbm>> -> memref<1000000x64xf32, #tpu.memory_space<hbm>>
    %dma_wait3A_79 = tpu.memref_slice %arg7[%dma_wait3A_68] : memref<4x!tpu.dma_semaphore, #tpu.memory_space<semaphore_mem>> -> memref<1x!tpu.dma_semaphore, #tpu.memory_space<semaphore_mem>>
    %dma_wait3A_80 = tpu.memref_squeeze %dma_wait3A_79 : memref<1x!tpu.dma_semaphore, #tpu.memory_space<semaphore_mem>> -> memref<!tpu.dma_semaphore, #tpu.memory_space<semaphore_mem>>
    tpu.wait_indirect_dma semaphore(%dma_wait3A_80 : memref<!tpu.dma_semaphore, #tpu.memory_space<semaphore_mem>>) src(%dma_wait3A_78 : memref<1000000x64xf32, #tpu.memory_space<hbm>>) dst(%dma_wait3A_72 : memref<128x64xf32, #tpu.memory_space<vmem>>)
    %add3A_81 = arith.constant 100 : i32
    %add3A_82 = arith.addi %mul3A_2, %add3A_81 : i32
    %mul3A_83 = arith.constant 128 : i32
    %mul3A_84 = arith.muli %add3A_82, %mul3A_83 : i32
    %run_scoped3A = arith.constant 0 : i32
    "tpu.region"() ({
      %run_scoped3A_145 = tpu.sem_alloc : memref<!tpu.dma_semaphore, #tpu.memory_space<semaphore_mem>>
      %dma_start3A_146 = arith.constant 0 : i32
      %dma_start3A_147 = arith.constant 0 : i32
      %dma_start3A_148 = tpu.memref_slice %arg6[%run_scoped3A, %dma_start3A_146, %dma_start3A_147] : memref<4x128x64xf32, #tpu.memory_space<vmem>> -> memref<1x128x64xf32, #tpu.memory_space<vmem>>
      %dma_start3A_149 = tpu.memref_squeeze %dma_start3A_148 : memref<1x128x64xf32, #tpu.memory_space<vmem>> -> memref<128x64xf32, #tpu.memory_space<vmem>>
      %dma_start3A_150 = arith.constant 0 : i32
      %dma_start3A_151 = tpu.memref_slice %arg4[%mul3A_84, %dma_start3A_150] : memref<425984x64xf32, #tpu.memory_space<hbm>> -> memref<128x64xf32, #tpu.memory_space<hbm>>
      %dma_start3A_152 = arith.constant 0 : i32
      %dma_start3A_153 = tpu.memref_slice %arg4[%mul3A_84, %dma_start3A_152] : memref<425984x64xf32, #tpu.memory_space<hbm>> -> memref<128x64xf32, #tpu.memory_space<hbm>>
      %dma_start3A_154 = arith.constant 0 : i32
      %dma_start3A_155 = arith.constant 0 : i32
      %dma_start3A_156 = tpu.memref_slice %arg6[%run_scoped3A, %dma_start3A_154, %dma_start3A_155] : memref<4x128x64xf32, #tpu.memory_space<vmem>> -> memref<1x128x64xf32, #tpu.memory_space<vmem>>
      %dma_start3A_157 = tpu.memref_squeeze %dma_start3A_156 : memref<1x128x64xf32, #tpu.memory_space<vmem>> -> memref<128x64xf32, #tpu.memory_space<vmem>>
      tpu.enqueue_dma source(%dma_start3A_157 : memref<128x64xf32, #tpu.memory_space<vmem>>) target(%dma_start3A_153 : memref<128x64xf32, #tpu.memory_space<hbm>>) target_semaphore(%run_scoped3A_145 : memref<!tpu.dma_semaphore, #tpu.memory_space<semaphore_mem>>)
      %dma_wait3A_158 = arith.constant 0 : i32
      %dma_wait3A_159 = arith.constant 0 : i32
      %dma_wait3A_160 = tpu.memref_slice %arg6[%run_scoped3A, %dma_wait3A_158, %dma_wait3A_159] : memref<4x128x64xf32, #tpu.memory_space<vmem>> -> memref<1x128x64xf32, #tpu.memory_space<vmem>>
      %dma_wait3A_161 = tpu.memref_squeeze %dma_wait3A_160 : memref<1x128x64xf32, #tpu.memory_space<vmem>> -> memref<128x64xf32, #tpu.memory_space<vmem>>
      %dma_wait3A_162 = arith.constant 0 : i32
      %dma_wait3A_163 = tpu.memref_slice %arg4[%mul3A_84, %dma_wait3A_162] : memref<425984x64xf32, #tpu.memory_space<hbm>> -> memref<128x64xf32, #tpu.memory_space<hbm>>
      %dma_wait3A_164 = arith.constant 0 : i32
      %dma_wait3A_165 = tpu.memref_slice %arg4[%mul3A_84, %dma_wait3A_164] : memref<425984x64xf32, #tpu.memory_space<hbm>> -> memref<128x64xf32, #tpu.memory_space<hbm>>
      %dma_wait3A_166 = arith.constant 0 : i32
      %dma_wait3A_167 = arith.constant 0 : i32
      %dma_wait3A_168 = tpu.memref_slice %arg6[%run_scoped3A, %dma_wait3A_166, %dma_wait3A_167] : memref<4x128x64xf32, #tpu.memory_space<vmem>> -> memref<1x128x64xf32, #tpu.memory_space<vmem>>
      %dma_wait3A_169 = tpu.memref_squeeze %dma_wait3A_168 : memref<1x128x64xf32, #tpu.memory_space<vmem>> -> memref<128x64xf32, #tpu.memory_space<vmem>>
      tpu.wait_dma2 semaphore(%run_scoped3A_145 : memref<!tpu.dma_semaphore, #tpu.memory_space<semaphore_mem>>) src(%dma_wait3A_169 : memref<128x64xf32, #tpu.memory_space<vmem>>) dst(%dma_wait3A_165 : memref<128x64xf32, #tpu.memory_space<hbm>>)
      tpu.yield
    }) : () -> ()
    %dma_wait3A_85 = arith.constant 101 : i32
    %dma_wait3A_86 = arith.constant 1 : i32
    %dma_wait3A_87 = arith.constant 1 : i32
    %dma_wait3A_88 = arith.constant 0 : i32
    %dma_wait3A_89 = arith.constant 0 : i32
    %dma_wait3A_90 = tpu.memref_slice %arg6[%dma_wait3A_86, %dma_wait3A_88, %dma_wait3A_89] : memref<4x128x64xf32, #tpu.memory_space<vmem>> -> memref<1x128x64xf32, #tpu.memory_space<vmem>>
    %dma_wait3A_91 = tpu.memref_squeeze %dma_wait3A_90 : memref<1x128x64xf32, #tpu.memory_space<vmem>> -> memref<128x64xf32, #tpu.memory_space<vmem>>
    %dma_wait3A_92 = arith.constant 0 : i32
    %dma_wait3A_93 = tpu.memref_slice %arg5[%dma_wait3A_85, %dma_wait3A_92] : memref<104x128xi32, #tpu.memory_space<vmem>> -> memref<1x128xi32, #tpu.memory_space<vmem>>
    %dma_wait3A_94 = tpu.memref_squeeze %dma_wait3A_93 : memref<1x128xi32, #tpu.memory_space<vmem>> -> memref<128xi32, #tpu.memory_space<vmem>>
    %dma_wait3A_95 = arith.constant 0 : i32
    %dma_wait3A_96 = arith.constant 0 : i32
    %dma_wait3A_97 = tpu.memref_slice %arg2[%dma_wait3A_95, %dma_wait3A_96] : memref<1000000x64xf32, #tpu.memory_space<hbm>> -> memref<1000000x64xf32, #tpu.memory_space<hbm>>
    %dma_wait3A_98 = tpu.memref_slice %arg7[%dma_wait3A_87] : memref<4x!tpu.dma_semaphore, #tpu.memory_space<semaphore_mem>> -> memref<1x!tpu.dma_semaphore, #tpu.memory_space<semaphore_mem>>
    %dma_wait3A_99 = tpu.memref_squeeze %dma_wait3A_98 : memref<1x!tpu.dma_semaphore, #tpu.memory_space<semaphore_mem>> -> memref<!tpu.dma_semaphore, #tpu.memory_space<semaphore_mem>>
    tpu.wait_indirect_dma semaphore(%dma_wait3A_99 : memref<!tpu.dma_semaphore, #tpu.memory_space<semaphore_mem>>) src(%dma_wait3A_97 : memref<1000000x64xf32, #tpu.memory_space<hbm>>) dst(%dma_wait3A_91 : memref<128x64xf32, #tpu.memory_space<vmem>>)
    %add3A_100 = arith.constant 101 : i32
    %add3A_101 = arith.addi %mul3A_2, %add3A_100 : i32
    %mul3A_102 = arith.constant 128 : i32
    %mul3A_103 = arith.muli %add3A_101, %mul3A_102 : i32
    %run_scoped3A_104 = arith.constant 1 : i32
    "tpu.region"() ({
      %run_scoped3A_145 = tpu.sem_alloc : memref<!tpu.dma_semaphore, #tpu.memory_space<semaphore_mem>>
      %dma_start3A_146 = arith.constant 0 : i32
      %dma_start3A_147 = arith.constant 0 : i32
      %dma_start3A_148 = tpu.memref_slice %arg6[%run_scoped3A_104, %dma_start3A_146, %dma_start3A_147] : memref<4x128x64xf32, #tpu.memory_space<vmem>> -> memref<1x128x64xf32, #tpu.memory_space<vmem>>
      %dma_start3A_149 = tpu.memref_squeeze %dma_start3A_148 : memref<1x128x64xf32, #tpu.memory_space<vmem>> -> memref<128x64xf32, #tpu.memory_space<vmem>>
      %dma_start3A_150 = arith.constant 0 : i32
      %dma_start3A_151 = tpu.memref_slice %arg4[%mul3A_103, %dma_start3A_150] : memref<425984x64xf32, #tpu.memory_space<hbm>> -> memref<128x64xf32, #tpu.memory_space<hbm>>
      %dma_start3A_152 = arith.constant 0 : i32
      %dma_start3A_153 = tpu.memref_slice %arg4[%mul3A_103, %dma_start3A_152] : memref<425984x64xf32, #tpu.memory_space<hbm>> -> memref<128x64xf32, #tpu.memory_space<hbm>>
      %dma_start3A_154 = arith.constant 0 : i32
      %dma_start3A_155 = arith.constant 0 : i32
      %dma_start3A_156 = tpu.memref_slice %arg6[%run_scoped3A_104, %dma_start3A_154, %dma_start3A_155] : memref<4x128x64xf32, #tpu.memory_space<vmem>> -> memref<1x128x64xf32, #tpu.memory_space<vmem>>
      %dma_start3A_157 = tpu.memref_squeeze %dma_start3A_156 : memref<1x128x64xf32, #tpu.memory_space<vmem>> -> memref<128x64xf32, #tpu.memory_space<vmem>>
      tpu.enqueue_dma source(%dma_start3A_157 : memref<128x64xf32, #tpu.memory_space<vmem>>) target(%dma_start3A_153 : memref<128x64xf32, #tpu.memory_space<hbm>>) target_semaphore(%run_scoped3A_145 : memref<!tpu.dma_semaphore, #tpu.memory_space<semaphore_mem>>)
      %dma_wait3A_158 = arith.constant 0 : i32
      %dma_wait3A_159 = arith.constant 0 : i32
      %dma_wait3A_160 = tpu.memref_slice %arg6[%run_scoped3A_104, %dma_wait3A_158, %dma_wait3A_159] : memref<4x128x64xf32, #tpu.memory_space<vmem>> -> memref<1x128x64xf32, #tpu.memory_space<vmem>>
      %dma_wait3A_161 = tpu.memref_squeeze %dma_wait3A_160 : memref<1x128x64xf32, #tpu.memory_space<vmem>> -> memref<128x64xf32, #tpu.memory_space<vmem>>
      %dma_wait3A_162 = arith.constant 0 : i32
      %dma_wait3A_163 = tpu.memref_slice %arg4[%mul3A_103, %dma_wait3A_162] : memref<425984x64xf32, #tpu.memory_space<hbm>> -> memref<128x64xf32, #tpu.memory_space<hbm>>
      %dma_wait3A_164 = arith.constant 0 : i32
      %dma_wait3A_165 = tpu.memref_slice %arg4[%mul3A_103, %dma_wait3A_164] : memref<425984x64xf32, #tpu.memory_space<hbm>> -> memref<128x64xf32, #tpu.memory_space<hbm>>
      %dma_wait3A_166 = arith.constant 0 : i32
      %dma_wait3A_167 = arith.constant 0 : i32
      %dma_wait3A_168 = tpu.memref_slice %arg6[%run_scoped3A_104, %dma_wait3A_166, %dma_wait3A_167] : memref<4x128x64xf32, #tpu.memory_space<vmem>> -> memref<1x128x64xf32, #tpu.memory_space<vmem>>
      %dma_wait3A_169 = tpu.memref_squeeze %dma_wait3A_168 : memref<1x128x64xf32, #tpu.memory_space<vmem>> -> memref<128x64xf32, #tpu.memory_space<vmem>>
      tpu.wait_dma2 semaphore(%run_scoped3A_145 : memref<!tpu.dma_semaphore, #tpu.memory_space<semaphore_mem>>) src(%dma_wait3A_169 : memref<128x64xf32, #tpu.memory_space<vmem>>) dst(%dma_wait3A_165 : memref<128x64xf32, #tpu.memory_space<hbm>>)
      tpu.yield
    }) : () -> ()
    %dma_wait3A_105 = arith.constant 102 : i32
    %dma_wait3A_106 = arith.constant 2 : i32
    %dma_wait3A_107 = arith.constant 2 : i32
    %dma_wait3A_108 = arith.constant 0 : i32
    %dma_wait3A_109 = arith.constant 0 : i32
    %dma_wait3A_110 = tpu.memref_slice %arg6[%dma_wait3A_106, %dma_wait3A_108, %dma_wait3A_109] : memref<4x128x64xf32, #tpu.memory_space<vmem>> -> memref<1x128x64xf32, #tpu.memory_space<vmem>>
    %dma_wait3A_111 = tpu.memref_squeeze %dma_wait3A_110 : memref<1x128x64xf32, #tpu.memory_space<vmem>> -> memref<128x64xf32, #tpu.memory_space<vmem>>
    %dma_wait3A_112 = arith.constant 0 : i32
    %dma_wait3A_113 = tpu.memref_slice %arg5[%dma_wait3A_105, %dma_wait3A_112] : memref<104x128xi32, #tpu.memory_space<vmem>> -> memref<1x128xi32, #tpu.memory_space<vmem>>
    %dma_wait3A_114 = tpu.memref_squeeze %dma_wait3A_113 : memref<1x128xi32, #tpu.memory_space<vmem>> -> memref<128xi32, #tpu.memory_space<vmem>>
    %dma_wait3A_115 = arith.constant 0 : i32
    %dma_wait3A_116 = arith.constant 0 : i32
    %dma_wait3A_117 = tpu.memref_slice %arg2[%dma_wait3A_115, %dma_wait3A_116] : memref<1000000x64xf32, #tpu.memory_space<hbm>> -> memref<1000000x64xf32, #tpu.memory_space<hbm>>
    %dma_wait3A_118 = tpu.memref_slice %arg7[%dma_wait3A_107] : memref<4x!tpu.dma_semaphore, #tpu.memory_space<semaphore_mem>> -> memref<1x!tpu.dma_semaphore, #tpu.memory_space<semaphore_mem>>
    %dma_wait3A_119 = tpu.memref_squeeze %dma_wait3A_118 : memref<1x!tpu.dma_semaphore, #tpu.memory_space<semaphore_mem>> -> memref<!tpu.dma_semaphore, #tpu.memory_space<semaphore_mem>>
    tpu.wait_indirect_dma semaphore(%dma_wait3A_119 : memref<!tpu.dma_semaphore, #tpu.memory_space<semaphore_mem>>) src(%dma_wait3A_117 : memref<1000000x64xf32, #tpu.memory_space<hbm>>) dst(%dma_wait3A_111 : memref<128x64xf32, #tpu.memory_space<vmem>>)
    %add3A_120 = arith.constant 102 : i32
    %add3A_121 = arith.addi %mul3A_2, %add3A_120 : i32
    %mul3A_122 = arith.constant 128 : i32
    %mul3A_123 = arith.muli %add3A_121, %mul3A_122 : i32
    %run_scoped3A_124 = arith.constant 2 : i32
    "tpu.region"() ({
      %run_scoped3A_145 = tpu.sem_alloc : memref<!tpu.dma_semaphore, #tpu.memory_space<semaphore_mem>>
      %dma_start3A_146 = arith.constant 0 : i32
      %dma_start3A_147 = arith.constant 0 : i32
      %dma_start3A_148 = tpu.memref_slice %arg6[%run_scoped3A_124, %dma_start3A_146, %dma_start3A_147] : memref<4x128x64xf32, #tpu.memory_space<vmem>> -> memref<1x128x64xf32, #tpu.memory_space<vmem>>
      %dma_start3A_149 = tpu.memref_squeeze %dma_start3A_148 : memref<1x128x64xf32, #tpu.memory_space<vmem>> -> memref<128x64xf32, #tpu.memory_space<vmem>>
      %dma_start3A_150 = arith.constant 0 : i32
      %dma_start3A_151 = tpu.memref_slice %arg4[%mul3A_123, %dma_start3A_150] : memref<425984x64xf32, #tpu.memory_space<hbm>> -> memref<128x64xf32, #tpu.memory_space<hbm>>
      %dma_start3A_152 = arith.constant 0 : i32
      %dma_start3A_153 = tpu.memref_slice %arg4[%mul3A_123, %dma_start3A_152] : memref<425984x64xf32, #tpu.memory_space<hbm>> -> memref<128x64xf32, #tpu.memory_space<hbm>>
      %dma_start3A_154 = arith.constant 0 : i32
      %dma_start3A_155 = arith.constant 0 : i32
      %dma_start3A_156 = tpu.memref_slice %arg6[%run_scoped3A_124, %dma_start3A_154, %dma_start3A_155] : memref<4x128x64xf32, #tpu.memory_space<vmem>> -> memref<1x128x64xf32, #tpu.memory_space<vmem>>
      %dma_start3A_157 = tpu.memref_squeeze %dma_start3A_156 : memref<1x128x64xf32, #tpu.memory_space<vmem>> -> memref<128x64xf32, #tpu.memory_space<vmem>>
      tpu.enqueue_dma source(%dma_start3A_157 : memref<128x64xf32, #tpu.memory_space<vmem>>) target(%dma_start3A_153 : memref<128x64xf32, #tpu.memory_space<hbm>>) target_semaphore(%run_scoped3A_145 : memref<!tpu.dma_semaphore, #tpu.memory_space<semaphore_mem>>)
      %dma_wait3A_158 = arith.constant 0 : i32
      %dma_wait3A_159 = arith.constant 0 : i32
      %dma_wait3A_160 = tpu.memref_slice %arg6[%run_scoped3A_124, %dma_wait3A_158, %dma_wait3A_159] : memref<4x128x64xf32, #tpu.memory_space<vmem>> -> memref<1x128x64xf32, #tpu.memory_space<vmem>>
      %dma_wait3A_161 = tpu.memref_squeeze %dma_wait3A_160 : memref<1x128x64xf32, #tpu.memory_space<vmem>> -> memref<128x64xf32, #tpu.memory_space<vmem>>
      %dma_wait3A_162 = arith.constant 0 : i32
      %dma_wait3A_163 = tpu.memref_slice %arg4[%mul3A_123, %dma_wait3A_162] : memref<425984x64xf32, #tpu.memory_space<hbm>> -> memref<128x64xf32, #tpu.memory_space<hbm>>
      %dma_wait3A_164 = arith.constant 0 : i32
      %dma_wait3A_165 = tpu.memref_slice %arg4[%mul3A_123, %dma_wait3A_164] : memref<425984x64xf32, #tpu.memory_space<hbm>> -> memref<128x64xf32, #tpu.memory_space<hbm>>
      %dma_wait3A_166 = arith.constant 0 : i32
      %dma_wait3A_167 = arith.constant 0 : i32
      %dma_wait3A_168 = tpu.memref_slice %arg6[%run_scoped3A_124, %dma_wait3A_166, %dma_wait3A_167] : memref<4x128x64xf32, #tpu.memory_space<vmem>> -> memref<1x128x64xf32, #tpu.memory_space<vmem>>
      %dma_wait3A_169 = tpu.memref_squeeze %dma_wait3A_168 : memref<1x128x64xf32, #tpu.memory_space<vmem>> -> memref<128x64xf32, #tpu.memory_space<vmem>>
      tpu.wait_dma2 semaphore(%run_scoped3A_145 : memref<!tpu.dma_semaphore, #tpu.memory_space<semaphore_mem>>) src(%dma_wait3A_169 : memref<128x64xf32, #tpu.memory_space<vmem>>) dst(%dma_wait3A_165 : memref<128x64xf32, #tpu.memory_space<hbm>>)
      tpu.yield
    }) : () -> ()
    %dma_wait3A_125 = arith.constant 103 : i32
    %dma_wait3A_126 = arith.constant 3 : i32
    %dma_wait3A_127 = arith.constant 3 : i32
    %dma_wait3A_128 = arith.constant 0 : i32
    %dma_wait3A_129 = arith.constant 0 : i32
    %dma_wait3A_130 = tpu.memref_slice %arg6[%dma_wait3A_126, %dma_wait3A_128, %dma_wait3A_129] : memref<4x128x64xf32, #tpu.memory_space<vmem>> -> memref<1x128x64xf32, #tpu.memory_space<vmem>>
    %dma_wait3A_131 = tpu.memref_squeeze %dma_wait3A_130 : memref<1x128x64xf32, #tpu.memory_space<vmem>> -> memref<128x64xf32, #tpu.memory_space<vmem>>
    %dma_wait3A_132 = arith.constant 0 : i32
    %dma_wait3A_133 = tpu.memref_slice %arg5[%dma_wait3A_125, %dma_wait3A_132] : memref<104x128xi32, #tpu.memory_space<vmem>> -> memref<1x128xi32, #tpu.memory_space<vmem>>
    %dma_wait3A_134 = tpu.memref_squeeze %dma_wait3A_133 : memref<1x128xi32, #tpu.memory_space<vmem>> -> memref<128xi32, #tpu.memory_space<vmem>>
    %dma_wait3A_135 = arith.constant 0 : i32
    %dma_wait3A_136 = arith.constant 0 : i32
    %dma_wait3A_137 = tpu.memref_slice %arg2[%dma_wait3A_135, %dma_wait3A_136] : memref<1000000x64xf32, #tpu.memory_space<hbm>> -> memref<1000000x64xf32, #tpu.memory_space<hbm>>
    %dma_wait3A_138 = tpu.memref_slice %arg7[%dma_wait3A_127] : memref<4x!tpu.dma_semaphore, #tpu.memory_space<semaphore_mem>> -> memref<1x!tpu.dma_semaphore, #tpu.memory_space<semaphore_mem>>
    %dma_wait3A_139 = tpu.memref_squeeze %dma_wait3A_138 : memref<1x!tpu.dma_semaphore, #tpu.memory_space<semaphore_mem>> -> memref<!tpu.dma_semaphore, #tpu.memory_space<semaphore_mem>>
    tpu.wait_indirect_dma semaphore(%dma_wait3A_139 : memref<!tpu.dma_semaphore, #tpu.memory_space<semaphore_mem>>) src(%dma_wait3A_137 : memref<1000000x64xf32, #tpu.memory_space<hbm>>) dst(%dma_wait3A_131 : memref<128x64xf32, #tpu.memory_space<vmem>>)
    %add3A_140 = arith.constant 103 : i32
    %add3A_141 = arith.addi %mul3A_2, %add3A_140 : i32
    %mul3A_142 = arith.constant 128 : i32
    %mul3A_143 = arith.muli %add3A_141, %mul3A_142 : i32
    %run_scoped3A_144 = arith.constant 3 : i32
    "tpu.region"() ({
      %run_scoped3A_145 = tpu.sem_alloc : memref<!tpu.dma_semaphore, #tpu.memory_space<semaphore_mem>>
      %dma_start3A_146 = arith.constant 0 : i32
      %dma_start3A_147 = arith.constant 0 : i32
      %dma_start3A_148 = tpu.memref_slice %arg6[%run_scoped3A_144, %dma_start3A_146, %dma_start3A_147] : memref<4x128x64xf32, #tpu.memory_space<vmem>> -> memref<1x128x64xf32, #tpu.memory_space<vmem>>
      %dma_start3A_149 = tpu.memref_squeeze %dma_start3A_148 : memref<1x128x64xf32, #tpu.memory_space<vmem>> -> memref<128x64xf32, #tpu.memory_space<vmem>>
      %dma_start3A_150 = arith.constant 0 : i32
      %dma_start3A_151 = tpu.memref_slice %arg4[%mul3A_143, %dma_start3A_150] : memref<425984x64xf32, #tpu.memory_space<hbm>> -> memref<128x64xf32, #tpu.memory_space<hbm>>
      %dma_start3A_152 = arith.constant 0 : i32
      %dma_start3A_153 = tpu.memref_slice %arg4[%mul3A_143, %dma_start3A_152] : memref<425984x64xf32, #tpu.memory_space<hbm>> -> memref<128x64xf32, #tpu.memory_space<hbm>>
      %dma_start3A_154 = arith.constant 0 : i32
      %dma_start3A_155 = arith.constant 0 : i32
      %dma_start3A_156 = tpu.memref_slice %arg6[%run_scoped3A_144, %dma_start3A_154, %dma_start3A_155] : memref<4x128x64xf32, #tpu.memory_space<vmem>> -> memref<1x128x64xf32, #tpu.memory_space<vmem>>
      %dma_start3A_157 = tpu.memref_squeeze %dma_start3A_156 : memref<1x128x64xf32, #tpu.memory_space<vmem>> -> memref<128x64xf32, #tpu.memory_space<vmem>>
      tpu.enqueue_dma source(%dma_start3A_157 : memref<128x64xf32, #tpu.memory_space<vmem>>) target(%dma_start3A_153 : memref<128x64xf32, #tpu.memory_space<hbm>>) target_semaphore(%run_scoped3A_145 : memref<!tpu.dma_semaphore, #tpu.memory_space<semaphore_mem>>)
      %dma_wait3A_158 = arith.constant 0 : i32
      %dma_wait3A_159 = arith.constant 0 : i32
      %dma_wait3A_160 = tpu.memref_slice %arg6[%run_scoped3A_144, %dma_wait3A_158, %dma_wait3A_159] : memref<4x128x64xf32, #tpu.memory_space<vmem>> -> memref<1x128x64xf32, #tpu.memory_space<vmem>>
      %dma_wait3A_161 = tpu.memref_squeeze %dma_wait3A_160 : memref<1x128x64xf32, #tpu.memory_space<vmem>> -> memref<128x64xf32, #tpu.memory_space<vmem>>
      %dma_wait3A_162 = arith.constant 0 : i32
      %dma_wait3A_163 = tpu.memref_slice %arg4[%mul3A_143, %dma_wait3A_162] : memref<425984x64xf32, #tpu.memory_space<hbm>> -> memref<128x64xf32, #tpu.memory_space<hbm>>
      %dma_wait3A_164 = arith.constant 0 : i32
      %dma_wait3A_165 = tpu.memref_slice %arg4[%mul3A_143, %dma_wait3A_164] : memref<425984x64xf32, #tpu.memory_space<hbm>> -> memref<128x64xf32, #tpu.memory_space<hbm>>
      %dma_wait3A_166 = arith.constant 0 : i32
      %dma_wait3A_167 = arith.constant 0 : i32
      %dma_wait3A_168 = tpu.memref_slice %arg6[%run_scoped3A_144, %dma_wait3A_166, %dma_wait3A_167] : memref<4x128x64xf32, #tpu.memory_space<vmem>> -> memref<1x128x64xf32, #tpu.memory_space<vmem>>
      %dma_wait3A_169 = tpu.memref_squeeze %dma_wait3A_168 : memref<1x128x64xf32, #tpu.memory_space<vmem>> -> memref<128x64xf32, #tpu.memory_space<vmem>>
      tpu.wait_dma2 semaphore(%run_scoped3A_145 : memref<!tpu.dma_semaphore, #tpu.memory_space<semaphore_mem>>) src(%dma_wait3A_169 : memref<128x64xf32, #tpu.memory_space<vmem>>) dst(%dma_wait3A_165 : memref<128x64xf32, #tpu.memory_space<hbm>>)
      tpu.yield
    }) : () -> ()
    return
  }
}

</mosaic_0001>

<sc_bundles>
// kernel: kernel.3.cloned.1.call-start
scs
__scs_entry_jumppad:
0x0: {  	(pc) =	sbr.rel $0x88, $3  }
0x1: {  	(tag) =	ssettag $0x0;
	lr =	simm.s32 $0x1  }
0x2: {  	[smem:$0x3F9F] =	sst lr;
	_ =	strace $0xD0000000  }
0x3: {  	_ = 	snop  }
0x4: {  	_ = 	snop  }
0x5: {  	_ = 	snop  }
0x6: {  	_ = 	snop  }
0x7: {  	_ = 	snop  }
__scs_overlays_trampoline_lowered:
0x8: {  	[smem:$0x3FAE] =	sst s0  }
0x9: {  	[smem:$0x3FAF] =	sst s1  }
0xa: {  	[smem:$0x3FB0] =	sst s2  }
0xb: {  	[smem:$0x3FB1] =	sst s3  }
0xc: {  	[smem:$0x3FB2] =	sst s4  }
0xd: {  	[smem:$0x3FB3] =	sst s5  }
0xe: {  	[smem:$0x3FB4] =	sst s6  }
0xf: {  	[smem:$0x3FB5] =	sst s7  }
0x10: {  	[smem:$0x3FB6] =	sst s8  }
0x11: {  	[smem:$0x3FB7] =	sst s9;
	s0 =	simm.s32 @!p0 $0x0  }
0x12: {  	s1 =	sld [smem:$0x3F9D];
	s0 =	simm.s32 @p0 $0x1  }
0x13: {  	[smem:$0x3FB8] =	sst s0;
	s0 =	simm.s32 @!p1 $0x0  }
0x14: {  	s2 =	sld [smem:$0x3F9C];
	s0 =	simm.s32 @p1 $0x1  }
0x15: {  	[smem:$0x3FB9] =	sst s0;
	s0 =	simm.s32 @!p2 $0x0  }
0x16: {  	s3 =	sld [smem:$0x3FDB];
	s0 =	simm.s32 @p2 $0x1  }
0x17: {  	s4 =	simm.s32 $0x1BF5;
	[smem:$0x3FBB] =	sst s0  }
0x18: {  	s0 =	sld [smem:$0x3F9E];
	_ =	swait.ge [sflag:s4], $0x0  }
0x19: {  	s7 =	sld [smem:$0x3F9F]  }
0x1a: {  	s8 =	sadd.s32 $0xFFFFE003, lr  }
0x1b: {  	s9 =	sadd.s32 $0xFFFFFEF7, lr;
	s5 =	simm.s32 $0xFFFFFFFF;
	p2 =	slt.u32 s8, $0xFFFFF086  }
0x1c: {  	p1 =	slt.u32 s9, $0xF7A;
	s5 =	simm.s32 @!p2 $0x0  }
0x1d: {  	s5 =	simm.s32 @p1 $0x1;
	p0 =	seq.s32 s7, s2  }
0x1e: {  	s7 =	smul.u32 @!p0 $0xF7A, s2;
	p2 =	seq.s32 @!p0 s5, $0x0  }
0x1f: {  	s9 =	smul.u32 $0xF7A, s1;
	s8 =	simm.s32 @!p0 $0x1BF5;
	p2 =	por !p2, p0  }
0x20: {  	[sflag:s8] =	ssyncset.s32 @!p0 $0xFFFFF086;
	s6 =	sadd.s32 @!p0 s3, s7;
	s7 =	simm.s32 @!p0 $0x108  }
0x21: {  	s3 =	sadd.s32 s3, s9;
	s6 =	sadd.s32 @!p0 $0x88, s6;
	s7 =	simm.s32 @p2 $0x1082  }
0x22: {  	[simem:s7], [sflag:s8] =	dma.local @!p0 [hbm:s6], $0xF7A  }
0x23: {  	s9 =	sor.u32 $0xD0000000, s2;
	s6 =	simm.s32 $0x108;
	_ =	swait.ge @!p0 [sflag:s8], $0x0  }
0x24: {  	s3 =	sadd.s32 $0x88, s3;
	s6 =	simm.s32 @!p1 $0x1082;
	[sflag:s4] =	ssyncset.s32 $0xFFFFF086  }
0x25: {  	[simem:s6], [sflag:s4] =	dma.local [hbm:s3], $0xF7A  }
0x26: {  	[smem:$0x3F9F] =	sst s1;
	(tag) =	ssettag s2;
	_ =	strace s9  }
0x27: {  	s1 =	sld [smem:$0x3FAF]  }
0x28: {  	s2 =	sld [smem:$0x3FB0]  }
0x29: {  	s4 =	sld [smem:$0x3FB2]  }
0x2a: {  	p0 =	seq.s32 s5, $0x0;
	s5 =	sld [smem:$0x3FB3]  }
0x2b: {  	s6 =	sld [smem:$0x3FB4]  }
0x2c: {  	s7 =	sld [smem:$0x3FB5]  }
0x2d: {  	s3 =	simm.s32 $0x108;
	s8 =	sld [smem:$0x3FB6]  }
0x2e: {  	s3 =	simm.s32 @!p0 $0x1082;
	s9 =	sld [smem:$0x3FB7]  }
0x2f: {  	lr =	sadd.s32 s0, s3;
	s0 =	sld [smem:$0x3FAE]  }
0x30: {  	s3 =	sld [smem:$0x3FB1]  }
0x31: {  	[smem:$0x3FBA] =	sst s10  }
0x32: {  	s10 =	sld [smem:$0x3FB8];
	_ =	sdelay $0x3  }
0x33: {  	p0 =	seq.s32 s10, $0x1;
	s10 =	sld [smem:$0x3FBA];
	_ =	sdelay $0x3  }
0x34: {  	[smem:$0x3FBA] =	sst s10  }
0x35: {  	s10 =	sld [smem:$0x3FB9];
	_ =	sdelay $0x3  }
0x36: {  	p1 =	seq.s32 s10, $0x1;
	s10 =	sld [smem:$0x3FBA];
	_ =	sdelay $0x3  }
0x37: {  	[smem:$0x3FBA] =	sst s10  }
0x38: {  	s10 =	sld [smem:$0x3FBB]  }
0x39: {  	_ = 	snop;
	(pc) =	sbr.ind lr, $3  }
0x3a: {  	_ = 	snop  }
0x3b: {  	_ = 	snop  }
0x3c: {  	p2 =	seq.s32 s10, $0x1;
	s10 =	sld [smem:$0x3FBA]  }
0x3d: {  	_ =	shalt  }
0x3e: {  	_ =	shalt  }
0x3f: {  	_ =	shalt  }
0x40: {  	_ =	shalt  }
0x41: {  	_ =	shalt  }
0x42: {  	_ =	shalt  }
0x43: {  	_ =	shalt  }
0x44: {  	_ =	shalt  }
0x45: {  	_ =	shalt  }
0x46: {  	_ =	shalt  }
0x47: {  	_ =	shalt  }
0x48: {  	_ =	shalt  }
0x49: {  	_ =	shalt  }
0x4a: {  	_ =	shalt  }
0x4b: {  	_ =	shalt  }
0x4c: {  	_ =	shalt  }
0x4d: {  	_ =	shalt  }
0x4e: {  	_ =	shalt  }
0x4f: {  	_ =	shalt  }
0x50: {  	_ =	shalt  }
0x51: {  	_ =	shalt  }
0x52: {  	_ =	shalt  }
0x53: {  	_ =	shalt  }
0x54: {  	_ =	shalt  }
0x55: {  	_ =	shalt  }
0x56: {  	_ =	shalt  }
0x57: {  	_ =	shalt  }
0x58: {  	_ =	shalt  }
0x59: {  	_ =	shalt  }
0x5a: {  	_ =	shalt  }
0x5b: {  	_ =	shalt  }
0x5c: {  	_ =	shalt  }
0x5d: {  	_ =	shalt  }
0x5e: {  	_ =	shalt  }
0x5f: {  	_ =	shalt  }
0x60: {  	_ =	shalt  }
0x61: {  	_ =	shalt  }
0x62: {  	_ =	shalt  }
0x63: {  	_ =	shalt  }
0x64: {  	_ =	shalt  }
0x65: {  	_ =	shalt  }
0x66: {  	_ =	shalt  }
0x67: {  	_ =	shalt  }
0x68: {  	_ =	shalt  }
0x69: {  	_ =	shalt  }
0x6a: {  	_ =	shalt  }
0x6b: {  	_ =	shalt  }
0x6c: {  	_ =	shalt  }
0x6d: {  	_ =	shalt  }
0x6e: {  	_ =	shalt  }
0x6f: {  	_ =	shalt  }
0x70: {  	_ =	shalt  }
0x71: {  	_ =	shalt  }
0x72: {  	_ =	shalt  }
0x73: {  	_ =	shalt  }
0x74: {  	_ =	shalt  }
0x75: {  	_ =	shalt  }
0x76: {  	_ =	shalt  }
0x77: {  	_ =	shalt  }
0x78: {  	_ =	shalt  }
0x79: {  	_ =	shalt  }
0x7a: {  	_ =	shalt  }
0x7b: {  	_ =	shalt  }
0x7c: {  	_ =	shalt  }
0x7d: {  	_ =	shalt  }
0x7e: {  	_ =	shalt  }
0x7f: {  	_ =	shalt  }
0x80: {  	_ =	shalt  }
0x81: {  	_ =	shalt  }
0x82: {  	_ =	shalt  }
0x83: {  	_ =	shalt  }
0x84: {  	_ =	shalt  }
0x85: {  	_ =	shalt  }
0x86: {  	_ =	shalt  }
0x87: {  	_ =	shalt  }
.Lfunc_end0:
.L_simem_size_0:
called_computation.1_lowered:
.L_overlay_start_0:
0x88: {  	s2 =	sld [smem:$0x3FD9]  }
0x89: {  	s3 =	sld [smem:$0x3FFE];
	_ =	sdelay $0x1  }
0x8a: {  	s1 =	srdreg.scid  }
0x8b: {  	s0 =	sand.u32 $0x1, s1  }
0x8c: {  	s17 =	sshll.u32 s0, $0xA;
	s2 =	sadd.s32 s3, s2  }
0x8d: {  	s2 =	sadd.s32 s2, s17  }
0x8e: {  	[smem:$0x3FC6] =	sst s2  }
0x8f: {  	_ = 	snop  }
0x90: {  	s2 =	sld [smem:$0x3FD0];
	(tm) =	ssettm $0x1  }
0x91: {  	s18 =	sld [smem:$0x3FFB];
	_ =	sdelay $0x3  }
0x92: {  	_ =	strace s18  }
0x93: {  	s3 =	sld [smem:$0x3FFC];
	_ =	sdelay $0x3  }
0x94: {  	_ =	strace s3  }
0x95: {  	s3 =	sld [smem:$0x3FFD];
	_ =	sdelay $0x3  }
0x96: {  	_ =	strace s3  }
0x97: {  	_ =	strace $0x8FFFFFFF  }
0x98: {  	s19 =	sld [smem:$0x3FDB];
	_ =	sdelay $0x1  }
0x99: {  	s4 =	simm.s32 $_scs_section_size  }
0x9a: {  	s5 =	simm.s32 $_size__tile_overlayer_lowered;
	s6 =	simm.s32 $_tile_overlayer_lowered  }
0x9b: {  	s22 =	simm.s32 $0x1BFF;
	s21 =	sshll.u32 s6, $0x1;
	s3 =	sadd.s32 s4, s19  }
0x9c: {  	s7 =	simm.s32 $0x0;
	s20 =	sshll.u32 s5, $0x1;
	s5 =	sadd.s32 s21, s3  }
0x9d: {  	[timem:s7], [sflag:s22] =	dma.local [hbm:s5], s20  }
0x9e: {  	_ =	swait.ge [sflag:s22], s20  }
0x9f: {  	s4 =	ssub.s32 $0x0, s20;
	[sflag:s22] =	ssyncset.done $0x0  }
0xa0: {  	[sflag:s22] =	ssyncadd.s32 s4;
	_ =	sdelay $0x1  }
0xa1: {  	s23 =	simm.s32 $0x1B8B  }
0xa2: {  	_ =	swait.ge [sflag:s23], $0x1  }
0xa3: {  	[sflag:s23] =	ssyncset.done $0x0  }
0xa4: {  	s25 =	simm.s32 $0x1B8E;
	s24 =	sld [smem:$0x3FFE];
	[sflag:s23] =	ssyncadd.s32 $0xFFFFFFFF  }
0xa5: {  	s26 =	simm.s32 $execute0_lowered;
	[smem:$0x3FD2] =	sst s25  }
0xa6: {  	s5 =	sshll.u32 s26, $0x1;
	_ =	strace $0x80000046;
	[dreg:$0x1] =	wrdreg $0xFFFFFFFF  }
0xa7: {  	s28 =	simm.s32 $_size_execute0_lowered;
	s3 =	sadd.s32 s3, s5;
	[dreg:$0x0] =	wrdreg $0x0  }
0xa8: {  	s5 =	sshll.u32 s28, $0x1;
	[dreg:$0x2] =	wrdreg s3  }
0xa9: {  	[dreg:$0x3] =	wrdreg s5  }
0xaa: {  	[dreg:$0x4] =	wrdreg $0xC0  }
0xab: {  	_ =	task [dreg:s7], $0x5FFFF  }
0xac: {  	[dreg:$0x1] =	wrdreg $0xFFFFFFFF  }
0xad: {  	[dreg:$0x0] =	wrdreg $0x60  }
0xae: {  	[dreg:$0x2] =	wrdreg s24  }
0xaf: {  	[dreg:$0x3] =	wrdreg s2  }
0xb0: {  	[dreg:$0x4] =	wrdreg $0x9  }
0xb1: {  	_ =	task.clear_ibuf [dreg:s7], $0x5FFFF;
	_ =	strace $0x90000046  }
0xb2: {  	s29 =	simm.s32 $0x9;
	_ =	strace $0x80000048  }
0xb3: {  	_ =	swait.ge [sflag:s29], $0x1  }
0xb4: {  	[sflag:s29] =	ssyncadd.s32 $0xFFFFFFFF  }
0xb5: {  	_ =	strace $0x90000048  }
0xb6: {  	_ =	sfence  }
0xb7: {  	s30 =	sld [smem:$0x0];
	_ =	sdelay $0x2  }
0xb8: {  	s31 =	sshll.u32 s1, $0xD;
	s1 =	sshrl.u32 s1, $0x2  }
0xb9: {  	s3 =	sand.u32 $0x4000, s31;
	s1 =	sadd.s32 s1, s30  }
0xba: {  	s0 =	sor.u32 s3, s0;
	s1 =	sshll.u32 s1, $0x11  }
0xbb: {  	s0 =	sor.u32 s1, s0  }
0xbc: {  	s0 =	sadd.s32 $0x8F2B, s0  }
0xbd: {  	[sflag:s0] =	ssyncadd.remote.s32 $0x1  }
0xbe: {  	_ =	sfence.sel $0xFFFF  }
0xbf: {  	[dreg:$0x0] =	wrdreg $0xFFFFFFFF;
	(pc) =	sbr.abs _section_cstart, $3  }
0xc0: {  	[dreg:$0x1] =	wrdreg $0xFFFFFFFF  }
0xc1: {  	_ =	task.clear_ibuf [dreg:s7], $0x2FFFF;
	_ =	strace $0x9FFFFFFF  }
0xc2: {  	(tm) =	ssettm $0x7FFFFFFF  }
0xc3: {  	_ =	shalt  }
tec
execute0_lowered:
.L_overlay_start_1:
0x0: {  	(tag) =	ssettag $0x1  }
0x1: {  	s4 =	rddreg [dreg:$0x0]  }
0x2: {  	s11 =	rddreg [dreg:$0x1]  }
0x3: {  	s3 =	srdreg.scid;
	s1 =	stileid.u32  }
0x4: {  	s2 =	simm.s32 $0x0;
	s16 =	simm.s32 $0x5400;
	s17 =	simm.s32 $0x100  }
0x5: {  	s18 =	simm.s32 $0x7400;
	s19 =	simm.s32 $0x180;
	s20 =	simm.s32 $0x9400  }
0x6: {  	s21 =	simm.s32 $0x1;
	s22 =	simm.s32 $0x2;
	s7 =	smul.u32 $0xD0, s1  }
0x7: {  	s23 =	simm.s32 $0x3;
	s9 =	sand.u32 $0x1, s3;
	s13 =	smul.u32 $0x34000, s1  }
0x8: {  	s24 =	simm.s32 $0x4;
	s28 =	sshll.u32 s1, $0x1;
	s10 =	smul.u32 $0x68, s9  }
0x9: {  	s25 =	simm.s32 $0x0;
	s5 =	sor.u32 s9, s28;
	s15 =	smul.u32 $0x1A000, s9  }
0xa: {  	[smem:$0x7FF] =	sst s2;
	s3 =	sadd.s32 $0xF42E00, s4;
	s6 =	smul.u32 $0x680, s5  }
0xb: {  	_ =	strace $0x80000047;
	s29 =	ssub.s32 $0x2, s9;
	s5 =	smul.u32 $0xD0000, s5  }
0xc: {  	s8 =	sshrl.u32 s29, $0x1;
	s31 =	sadd.s32 s13, s11;
	s13 =	simm.s32 $0x5  }
0xd: {  	s12 =	ssub.s32 s29, s8;
	s10 =	sadd.s32 s10, s7;
	s4 =	sadd.s32 s6, s4  }
0xe: {  	s5 =	sshrl.u32 s5, $0x3;
	s10 =	sshll.u32 s10, $0xA;
	s9 =	smax.u32 s12, $0x1  }
0xf: {  	s12 =	sadd.s32 s15, s31;
	s15 =	simm.s32 $0x3400;
	s30 =	sadd.s32 s11, s5  }
0x10: {  	s4 =	sadd.s32 $0xA00, s4;
	s14 =	sadd.s32 s10, s11;
	s5 =	sadd.s32 $0x19000, s30  }
0x11: {  	s6 =	sadd.s32 $0x19400, s30;
	s7 =	sadd.s32 $0x19800, s30;
	s8 =	sadd.s32 $0x19C00, s30  }
0x12: {  	s10 =	sadd.s32 $0xC00, s14;
	s11 =	sadd.s32 $0x800, s14;
	s14 =	simm.s32 $0x80  }
.LBB2_1:
0x13: {  	[tilespmem:s2], [sflag:$0x5] =	stream.linear.gather [hbm4b:s4+s2], $0x3400, $0x38;
	[tilespmem:$0xB400] =	vst v63  }
0x14: {  	_ =	swait.ge [sflag:s13], $0x3400  }
0x15: {  	[sflag:s13] =	ssyncset.done $0x0  }
0x16: {  	[sflag:s13] =	ssyncadd.s32 $0xFFFFCC00  }
0x17: {  	[tilespmem:s15], [sflag:$0x1] =	stream.indirect.gather [hbm4b:s3+s14], $0x40, s2, s14, $0xb8;
	[tilespmem:$0xB400] =	vst v63  }
0x18: {  	_ = 	snop  }
0x19: {  	[tilespmem:s16], [sflag:$0x2] =	stream.indirect.gather [hbm4b:s3+s14], $0x40, s14, s14, $0xb8;
	[tilespmem:$0xB400] =	vst v63  }
0x1a: {  	_ = 	snop  }
0x1b: {  	[tilespmem:s18], [sflag:$0x3] =	stream.indirect.gather [hbm4b:s3+s14], $0x40, s17, s14, $0xb8;
	[tilespmem:$0xB400] =	vst v63  }
0x1c: {  	_ = 	snop  }
0x1d: {  	[tilespmem:s20], [sflag:$0x4] =	stream.indirect.gather [hbm4b:s3+s14], $0x40, s19, s14, $0xb8;
	[tilespmem:$0xB400] =	vst v63  }
0x1e: {  	_ =	swait.ge [sflag:s21], $0x2000  }
0x1f: {  	[sflag:s21] =	ssyncset.done $0x0  }
0x20: {  	[sflag:s21] =	ssyncadd.s32 $0xFFFFE000  }
0x21: {  	[hbm4b:s12+s2] =	stream.linear.scatter [tilespmem:s15], [sflag:$0x5], $0x2000, $0x38;
	[tilespmem:$0xB400] =	vst v63  }
0x22: {  	_ =	swait.ge [sflag:s13], $0x2000  }
0x23: {  	[sflag:s13] =	ssyncset.done $0x0  }
0x24: {  	s26 =	simm.s32 $0x200;
	[sflag:s13] =	ssyncadd.s32 $0xFFFFE000  }
0x25: {  	[tilespmem:s15], [sflag:$0x1] =	stream.indirect.gather [hbm4b:s3+s14], $0x40, s26, s14, $0xb8;
	[tilespmem:$0xB400] =	vst v63  }
0x26: {  	_ =	swait.ge [sflag:s22], $0x2000  }
0x27: {  	[sflag:s22] =	ssyncset.done $0x0  }
0x28: {  	s0 =	sadd.s32 $0xFFFFF800, s10;
	[sflag:s22] =	ssyncadd.s32 $0xFFFFE000  }
0x29: {  	[hbm4b:s0+s2] =	stream.linear.scatter [tilespmem:s16], [sflag:$0x5], $0x2000, $0x38;
	[tilespmem:$0xB400] =	vst v63  }
0x2a: {  	_ =	swait.ge [sflag:s13], $0x2000  }
0x2b: {  	[sflag:s13] =	ssyncset.done $0x0  }
0x2c: {  	s0 =	simm.s32 $0x280;
	[sflag:s13] =	ssyncadd.s32 $0xFFFFE000  }
0x2d: {  	[tilespmem:s16], [sflag:$0x2] =	stream.indirect.gather [hbm4b:s3+s14], $0x40, s0, s14, $0xb8;
	[tilespmem:$0xB400] =	vst v63  }
0x2e: {  	_ =	swait.ge [sflag:s23], $0x2000  }
0x2f: {  	[sflag:s23] =	ssyncset.done $0x0  }
0x30: {  	[sflag:s23] =	ssyncadd.s32 $0xFFFFE000  }
0x31: {  	[hbm4b:s11+s2] =	stream.linear.scatter [tilespmem:s18], [sflag:$0x5], $0x2000, $0x38;
	[tilespmem:$0xB400] =	vst v63  }
0x32: {  	_ =	swait.ge [sflag:s13], $0x2000  }
0x33: {  	[sflag:s13] =	ssyncset.done $0x0  }
0x34: {  	s0 =	simm.s32 $0x300;
	[sflag:s13] =	ssyncadd.s32 $0xFFFFE000  }
0x35: {  	[tilespmem:s18], [sflag:$0x3] =	stream.indirect.gather [hbm4b:s3+s14], $0x40, s0, s14, $0xb8;
	[tilespmem:$0xB400] =	vst v63  }
0x36: {  	_ =	swait.ge [sflag:s24], $0x2000  }
0x37: {  	[sflag:s24] =	ssyncset.done $0x0  }
0x38: {  	[sflag:s24] =	ssyncadd.s32 $0xFFFFE000  }
0x39: {  	[hbm4b:s10+s2] =	stream.linear.scatter [tilespmem:s20], [sflag:$0x5], $0x2000, $0x38;
	[tilespmem:$0xB400] =	vst v63  }
0x3a: {  	s28 =	sadd.s32 $0x1000, s11;
	_ =	swait.ge [sflag:s13], $0x2000  }
0x3b: {  	s29 =	sadd.s32 $0x1000, s12;
	s31 =	simm.s32 $0x380;
	[sflag:s13] =	ssyncset.done $0x0  }
0x3c: {  	s30 =	sadd.s32 $0x1000, s10;
	s26 =	simm.s32 $0x800;
	[sflag:s13] =	ssyncadd.s32 $0xFFFFE000  }
.LBB2_2:
0x3d: {  	[tilespmem:s20], [sflag:$0x4] =	stream.indirect.gather [hbm4b:s3+s14], $0x40, s31, s14, $0xb8;
	[tilespmem:$0xB400] =	vst v63  }
0x3e: {  	s31 =	smov.u32 s26  }
0x3f: {  	p0 =	sne.s32 s26, $0xC000;
	s26 =	sadd.s32 $0x800, s26;
	_ =	swait.ge [sflag:s21], $0x2000  }
0x40: {  	[sflag:s21] =	ssyncset.done $0x0  }
0x41: {  	[sflag:s21] =	ssyncadd.s32 $0xFFFFE000  }
0x42: {  	[hbm4b:s29+s2] =	stream.linear.scatter [tilespmem:s15], [sflag:$0x5], $0x2000, $0x38;
	[tilespmem:$0xB400] =	vst v63  }
0x43: {  	_ =	swait.ge [sflag:s13], $0x2000  }
0x44: {  	s31 =	sshra.s32 s31, $0x2;
	[sflag:s13] =	ssyncset.done $0x0  }
0x45: {  	s0 =	sadd.s32 $0x200, s31;
	[sflag:s13] =	ssyncadd.s32 $0xFFFFE000  }
0x46: {  	[tilespmem:s15], [sflag:$0x1] =	stream.indirect.gather [hbm4b:s3+s14], $0x40, s0, s14, $0xb8;
	[tilespmem:$0xB400] =	vst v63  }
0x47: {  	_ =	swait.ge [sflag:s22], $0x2000  }
0x48: {  	[sflag:s22] =	ssyncset.done $0x0  }
0x49: {  	s0 =	sadd.s32 $0xFFFFF800, s30;
	[sflag:s22] =	ssyncadd.s32 $0xFFFFE000  }
0x4a: {  	[hbm4b:s0+s2] =	stream.linear.scatter [tilespmem:s16], [sflag:$0x5], $0x2000, $0x38;
	[tilespmem:$0xB400] =	vst v63  }
0x4b: {  	_ =	swait.ge [sflag:s13], $0x2000  }
0x4c: {  	[sflag:s13] =	ssyncset.done $0x0  }
0x4d: {  	s0 =	sadd.s32 $0x280, s31;
	[sflag:s13] =	ssyncadd.s32 $0xFFFFE000  }
0x4e: {  	[tilespmem:s16], [sflag:$0x2] =	stream.indirect.gather [hbm4b:s3+s14], $0x40, s0, s14, $0xb8;
	[tilespmem:$0xB400] =	vst v63  }
0x4f: {  	_ =	swait.ge [sflag:s23], $0x2000  }
0x50: {  	[sflag:s23] =	ssyncset.done $0x0  }
0x51: {  	[sflag:s23] =	ssyncadd.s32 $0xFFFFE000  }
0x52: {  	[hbm4b:s28+s2] =	stream.linear.scatter [tilespmem:s18], [sflag:$0x5], $0x2000, $0x38;
	[tilespmem:$0xB400] =	vst v63  }
0x53: {  	_ =	swait.ge [sflag:s13], $0x2000  }
0x54: {  	[sflag:s13] =	ssyncset.done $0x0  }
0x55: {  	s0 =	sadd.s32 $0x300, s31;
	[sflag:s13] =	ssyncadd.s32 $0xFFFFE000  }
0x56: {  	[tilespmem:s18], [sflag:$0x3] =	stream.indirect.gather [hbm4b:s3+s14], $0x40, s0, s14, $0xb8;
	[tilespmem:$0xB400] =	vst v63  }
0x57: {  	_ =	swait.ge [sflag:s24], $0x2000  }
0x58: {  	[sflag:s24] =	ssyncset.done $0x0  }
.Ltmp0:
0x59: {  	[sflag:s24] =	ssyncadd.s32 $0xFFFFE000;
	(pc) =	sbr.rel @p0 .LBB2_2-.Ltmp0, $4  }
0x5a: {  	[hbm4b:s30+s2] =	stream.linear.scatter [tilespmem:s20], [sflag:$0x5], $0x2000, $0x38;
	[tilespmem:$0xB400] =	vst v63  }
0x5b: {  	_ =	swait.ge [sflag:s13], $0x2000  }
0x5c: {  	s29 =	sadd.s32 $0x1000, s29;
	s28 =	sadd.s32 $0x1000, s28;
	[sflag:s13] =	ssyncset.done $0x0  }
0x5d: {  	s31 =	sadd.s32 $0x380, s31;
	s30 =	sadd.s32 $0x1000, s30;
	[sflag:s13] =	ssyncadd.s32 $0xFFFFE000  }
0x5e: {  	[tilespmem:s20], [sflag:$0x4] =	stream.indirect.gather [hbm4b:s3+s14], $0x40, s31, s14, $0xb8;
	[tilespmem:$0xB400] =	vst v63  }
0x5f: {  	_ =	swait.ge [sflag:s21], $0x2000  }
0x60: {  	[sflag:s21] =	ssyncset.done $0x0  }
0x61: {  	[sflag:s21] =	ssyncadd.s32 $0xFFFFE000  }
0x62: {  	[hbm4b:s5+s2] =	stream.linear.scatter [tilespmem:s15], [sflag:$0x5], $0x2000, $0x38;
	[tilespmem:$0xB400] =	vst v63  }
0x63: {  	_ =	swait.ge [sflag:s13], $0x2000  }
0x64: {  	[sflag:s13] =	ssyncset.done $0x0  }
0x65: {  	[sflag:s13] =	ssyncadd.s32 $0xFFFFE000  }
0x66: {  	_ =	swait.ge [sflag:s22], $0x2000  }
0x67: {  	[sflag:s22] =	ssyncset.done $0x0  }
0x68: {  	[sflag:s22] =	ssyncadd.s32 $0xFFFFE000  }
0x69: {  	[hbm4b:s6+s2] =	stream.linear.scatter [tilespmem:s16], [sflag:$0x5], $0x2000, $0x38;
	[tilespmem:$0xB400] =	vst v63  }
0x6a: {  	_ =	swait.ge [sflag:s13], $0x2000  }
0x6b: {  	[sflag:s13] =	ssyncset.done $0x0  }
0x6c: {  	[sflag:s13] =	ssyncadd.s32 $0xFFFFE000  }
0x6d: {  	_ =	swait.ge [sflag:s23], $0x2000  }
0x6e: {  	[sflag:s23] =	ssyncset.done $0x0  }
0x6f: {  	[sflag:s23] =	ssyncadd.s32 $0xFFFFE000  }
0x70: {  	[hbm4b:s7+s2] =	stream.linear.scatter [tilespmem:s18], [sflag:$0x5], $0x2000, $0x38;
	[tilespmem:$0xB400] =	vst v63  }
0x71: {  	_ =	swait.ge [sflag:s13], $0x2000  }
0x72: {  	[sflag:s13] =	ssyncset.done $0x0  }
0x73: {  	[sflag:s13] =	ssyncadd.s32 $0xFFFFE000  }
0x74: {  	s25 =	sadd.s32 $0x1, s25;
	_ =	swait.ge [sflag:s24], $0x2000  }
0x75: {  	p0 =	sne.s32 s25, s9;
	[sflag:s24] =	ssyncset.done $0x0  }
.Ltmp1:
0x76: {  	[sflag:s24] =	ssyncadd.s32 $0xFFFFE000;
	(pc) =	sbr.rel @p0 .LBB2_1-.Ltmp1, $4  }
0x77: {  	[hbm4b:s8+s2] =	stream.linear.scatter [tilespmem:s20], [sflag:$0x5], $0x2000, $0x38;
	[tilespmem:$0xB400] =	vst v63  }
0x78: {  	_ =	swait.ge [sflag:s13], $0x2000  }
0x79: {  	[sflag:s13] =	ssyncset.done $0x0  }
0x7a: {  	[sflag:s13] =	ssyncadd.s32 $0xFFFFE000  }
0x7b: {  	_ =	sfence.sel $0x180000  }
0x7c: {  	[bflag:$0x0] =	sbarrier.arrive $0xFFFF  }
0x7d: {  	_ =	strace $0x90000047  }
0x7e: {  	[bflag:$0x2] =	sbarrier.arrive $0xFFFF  }
0x7f: {  	p0 =	sne.s32 s1, $0x0;
	s0 =	rddreg [dreg:$0x2]  }
0x80: {  	s0 =	sadd.s32 @!p0 $0x100000, s0  }
0x81: {  	[sflag:s0] =	ssyncadd.tile.s32 @!p0 $0x1;
	_ =	shalt  }
.Lfunc_end2:
_tile_overlayer_lowered:
.L_overlay_start_2:
0x82: {  	(tag) =	ssettag $0x2  }
0x83: {  	s0 =	rddreg [dreg:$0x0];
	s2 =	stileid.u32  }
0x84: {  	s1 =	rddreg [dreg:$0x1];
	p0 =	sne.s32 s2, $0x0  }
0x85: {  	s3 =	rddreg [dreg:$0x2];
	[bflag:$0x3] =	sbarrier.arrive $0xFFFF;
	s2 =	simm.s32 @!p0 $0x1C05  }
0x86: {  	[timem:s3], [sflag:s2] =	dma.local @!p0 [hbm:s0], s1  }
0x87: {  	s0 =	simm.s32 @!p0 $0x5  }
0x88: {  	_ =	swait.ge @!p0 [sflag:s0], s1  }
0x89: {  	s1 =	ssub.s32 @!p0 $0x0, s1;
	[sflag:s0] =	ssyncset.done @!p0 $0x0  }
0x8a: {  	[sflag:s0] =	ssyncadd.s32 @!p0 s1  }
0x8b: {  	[bflag:$0x3] =	sbarrier.arrive $0xFFFF  }
0x8c: {  	_ =	shalt  }

// kernel: sparse-core-data-format-call.cloned.1.call-start
scs
called_computation_lowered:
.L_overlay_start_0:
0x0: {  	s2 =	sld [smem:$0x3FD9]  }
0x1: {  	s3 =	sld [smem:$0x3FFE];
	_ =	sdelay $0x1  }
0x2: {  	s1 =	srdreg.scid  }
0x3: {  	s0 =	sand.u32 $0x1, s1  }
0x4: {  	s18 =	sshll.u32 s0, $0xA;
	s2 =	sadd.s32 s3, s2  }
0x5: {  	s2 =	sadd.s32 s2, s18  }
0x6: {  	[smem:$0x3FC6] =	sst s2  }
0x7: {  	_ = 	snop  }
0x8: {  	s2 =	sld [smem:$0x3FD0];
	(tm) =	ssettm $0x1  }
0x9: {  	s19 =	sld [smem:$0x3FFB];
	_ =	sdelay $0x3  }
0xa: {  	_ =	strace s19  }
0xb: {  	s3 =	sld [smem:$0x3FFC];
	_ =	sdelay $0x3  }
0xc: {  	_ =	strace s3  }
0xd: {  	s3 =	sld [smem:$0x3FFD];
	_ =	sdelay $0x3  }
0xe: {  	_ =	strace s3  }
0xf: {  	_ =	strace $0x8FFFFFFF  }
0x10: {  	s20 =	sld [smem:$0x3FDB];
	_ =	sdelay $0x1  }
0x11: {  	s4 =	simm.s32 $_scs_section_size  }
0x12: {  	s5 =	simm.s32 $_size__tile_overlayer_lowered;
	s6 =	simm.s32 $_tile_overlayer_lowered  }
0x13: {  	s23 =	simm.s32 $0x1BFF;
	s22 =	sshll.u32 s6, $0x1;
	s3 =	sadd.s32 s4, s20  }
0x14: {  	s7 =	simm.s32 $0x0;
	s21 =	sshll.u32 s5, $0x1;
	s5 =	sadd.s32 s22, s3  }
0x15: {  	[timem:s7], [sflag:s23] =	dma.local [hbm:s5], s21  }
0x16: {  	_ =	swait.ge [sflag:s23], s21  }
0x17: {  	s4 =	ssub.s32 $0x0, s21;
	[sflag:s23] =	ssyncset.done $0x0  }
0x18: {  	[sflag:s23] =	ssyncadd.s32 s4;
	_ =	sdelay $0x1  }
0x19: {  	s24 =	simm.s32 $0x1B8B  }
0x1a: {  	_ =	swait.ge [sflag:s24], $0x1  }
0x1b: {  	[sflag:s24] =	ssyncset.done $0x0  }
0x1c: {  	s26 =	simm.s32 $0x1B8E;
	s25 =	sld [smem:$0x3FFE];
	[sflag:s24] =	ssyncadd.s32 $0xFFFFFFFF  }
0x1d: {  	s27 =	simm.s32 $execute0_lowered;
	[smem:$0x3FD2] =	sst s26  }
0x1e: {  	s5 =	sshll.u32 s27, $0x1;
	_ =	strace $0x80000049;
	[dreg:$0x1] =	wrdreg $0xFFFFFFFF  }
0x1f: {  	s28 =	simm.s32 $_size_execute0_lowered;
	s3 =	sadd.s32 s3, s5;
	[dreg:$0x0] =	wrdreg $0x0  }
0x20: {  	s5 =	sshll.u32 s28, $0x1;
	[dreg:$0x2] =	wrdreg s3  }
0x21: {  	[dreg:$0x3] =	wrdreg s5  }
0x22: {  	[dreg:$0x4] =	wrdreg $0xC0  }
0x23: {  	_ =	task [dreg:s7], $0x5FFFF  }
0x24: {  	[dreg:$0x1] =	wrdreg $0xFFFFFFFF  }
0x25: {  	[dreg:$0x0] =	wrdreg $0x60  }
0x26: {  	[dreg:$0x2] =	wrdreg s25  }
0x27: {  	[dreg:$0x3] =	wrdreg s2  }
0x28: {  	[dreg:$0x4] =	wrdreg $0x9  }
0x29: {  	_ =	task.clear_ibuf [dreg:s7], $0x5FFFF;
	_ =	strace $0x90000049  }
0x2a: {  	s29 =	simm.s32 $0x9;
	_ =	strace $0x8000004B  }
0x2b: {  	_ =	swait.ge [sflag:s29], $0x1  }
0x2c: {  	[sflag:s29] =	ssyncadd.s32 $0xFFFFFFFF  }
0x2d: {  	_ =	strace $0x9000004B  }
0x2e: {  	_ =	sfence  }
0x2f: {  	s30 =	sld [smem:$0x0];
	_ =	sdelay $0x2  }
0x30: {  	s31 =	sshll.u32 s1, $0xD;
	s1 =	sshrl.u32 s1, $0x2  }
0x31: {  	s3 =	sand.u32 $0x4000, s31;
	s1 =	sadd.s32 s1, s30  }
0x32: {  	s0 =	sor.u32 s3, s0;
	s1 =	sshll.u32 s1, $0x11  }
0x33: {  	s0 =	sor.u32 s1, s0  }
0x34: {  	s0 =	sadd.s32 $0x8F2B, s0  }
0x35: {  	[sflag:s0] =	ssyncadd.remote.s32 $0x1  }
0x36: {  	_ =	sfence.sel $0xFFFF  }
0x37: {  	[dreg:$0x0] =	wrdreg $0xFFFFFFFF;
	(pc) =	sbr.abs _section_cstart, $3  }
0x38: {  	[dreg:$0x1] =	wrdreg $0xFFFFFFFF  }
0x39: {  	_ =	task.clear_ibuf [dreg:s7], $0x2FFFF;
	_ =	strace $0x9FFFFFFF  }
0x3a: {  	(tm) =	ssettm $0x7FFFFFFF  }
0x3b: {  	_ =	shalt  }
tec
execute0_lowered:
.L_overlay_start_1:
0x0: {  	(tag) =	ssettag $0x1  }
0x1: {  	s0 =	srdreg.scid  }
0x2: {  	s1 =	sshll.u32 s0, $0x4  }
0x3: {  	s0 =	stileid.u32;
	s1 =	sand.u32 $0x10, s1  }
0x4: {  	s1 =	sor.u32 s0, s1  }
0x5: {  	s6 =	rddreg [dreg:$0x0];
	s4 =	simm.s32 $0x1;
	s2 =	sshll.u32 s1, $0x7  }
0x6: {  	s7 =	simm.s32 $0x2;
	s12 =	simm.s32 $0x0;
	s1 =	ssub.s32 $0x4000, s2  }
0x7: {  	s8 =	simm.s32 $0x20000;
	s13 =	simm.s32 $0x0;
	s3 =	sand.u32 $0xF80, s1  }
0x8: {  	s9 =	simm.s32 $0x0;
	s5 =	sshrl.u32 s1, $0xC;
	p0 =	sne.s32 s3, $0x0  }
.Ltmp0:
0x9: {  	s1 =	rddreg [dreg:$0x2];
	s4 =	simm.s32 @!p0 $0x0;
	(pc) =	sbr.rel .LBB1_1-.Ltmp0, $4  }
0xa: {  	s11 =	simm.s32 $0x0;
	s3 =	rddreg [dreg:$0x1];
	s5 =	sadd.s32 s4, s5  }
0xb: {  	_ =	strace $0x8000004A;
	s4 =	simm.s32 $0x1;
	s5 =	smul.u32 $0x1A, s5  }
0xc: {  	s6 =	sadd.s32 $0xA00, s6;
	s10 =	smov.u32 s2;
	[sflag:s4] =	ssyncpa.u1 $0x0  }
0xd: {  	p0 =	por $0x0, $0x0;
	[sflag:s7] =	ssyncpa.u1 $0x0;
	s7 =	sor.u32 $0x1, s5  }
.LBB1_4:
0xe: {  	s16 =	sshll.u32 s13, $0x3;
	s17 =	sand.u32 $0x78, s13  }
0xf: {  	s30 =	sand.u32 $0x1F800, s13;
	s12 =	sshll.u32 s12, $0x11;
	s16 =	sand.u32 $0x3C00, s16  }
0x10: {  	[tilespmem:s15+$0x810 ss:$0x81] =	vst.msk $0xffff, v2;
	s31 =	sand.u32 $0x7, s13;
	s16 =	sor.u32 s17, s16;
	s17 =	sadd.s32 s3, s30  }
0x11: {  	[tilespmem:s15+$0x1020 ss:$0x81] =	vst.msk $0xffff, v0;
	s13 =	sshll.u32 s31, $0x12;
	s12 =	sadd.s32 s12, s17;
	s16 =	sshrl.u32 s16, $0x3  }
0x12: {  	[tilespmem:s15+$0x0 ss:$0x81] =	vst.msk $0xffff, v1;
	s13 =	sor.u32 $0x400, s13;
	s12 =	sadd.s32 s16, s12  }
0x13: {  	[hbm4b:s12+s13] =	stream.strided.scatter [tilespmem:s14], [sflag:$0x2], $0x2000, s8, s13, $0x20;
	[tilespmem:$0x8080] =	vst v63  }
.LBB1_5:
0x14: {  	s14 =	sadd.s32 $0x1, s9  }
0x15: {  	s12 =	sadd.s32 $0x1000, s10;
	s16 =	smov.u32 s10;
	p2 =	sgt.s32 s14, $0x19  }
0x16: {  	s16 =	smov.u32 @p2 s12  }
0x17: {  	s14 =	simm.s32 @p2 $0x0;
	p2 =	sgt.s32 s16, $0x3FFF  }
0x18: {  	s16 =	smov.u32 @p2 s2;
	p2 =	sne.s32 s11, s7  }
.Ltmp1:
0x19: {  	p1 =	slt.u32 s11, $0x2;
	(pc) =	sbr.rel @!p2 .LBB1_6-.Ltmp1, $4  }
0x1a: {  	s15 =	simm.s32 @!p1 $0x2  }
0x1b: {  	s13 =	smov.u32 s10;
	p0 =	por !p0, !p0;
	_ =	swait.ge @!p1 [sflag:s15], $0x2000  }
0x1c: {  	s12 =	smov.u32 s9;
	[sflag:s15] =	ssyncset.done @!p1 $0x0;
	s9 =	smov.u32 s14  }
0x1d: {  	s11 =	sadd.s32 $0x1, s11;
	[sflag:s15] =	ssyncadd.s32 @!p1 $0xFFFFE000;
	s10 =	smov.u32 s16  }
.LBB1_1:
0x1e: {  	p1 =	sge.u32 s11, s5  }
0x1f: {  	s31 =	sadd.s32 $0xFFFFFFFF, s11;
	s14 =	sxor.u32 @!p1 $0xFFFFFFFF, s11  }
0x20: {  	s15 =	sshll.u32 @!p1 s10, $0x9;
	s16 =	sshll.u32 @!p1 s9, $0x4;
	s17 =	simm.s32 @!p1 $0x1000  }
0x21: {  	s14 =	sshll.u32 @!p1 s14, $0xD;
	s16 =	sand.u32 @!p1 $0x1F0, s16;
	s15 =	sadd.s32 @!p1 s6, s15  }
0x22: {  	s14 =	sand.u32 @!p1 $0x2000, s14;
	s15 =	sadd.s32 @!p1 s16, s15;
	s16 =	simm.s32 @!p1 $0x40  }
0x23: {  	[tilespmem:s14], [sflag:$0x1] =	stream.strided.gather @!p1 [hbm4b:s15+s16], $0x2000, s17, s16, $0x38;
	[tilespmem:$0x8080] =	vst v63  }
0x24: {  	p1 =	sge.u32 s31, s5  }
.Ltmp2:
0x25: {  	_ = 	snop;
	(pc) =	sbr.rel @p1 .LBB1_5-.Ltmp2, $1  }
0x26: {  	_ =	sdelay $0x3  }
0x27: {  	s14 =	simm.s32 $0x1  }
0x28: {  	_ =	swait.ge [sflag:s4], $0x2000;
	s14 =	simm.s32 @!p0 $0x0  }
0x29: {  	[sflag:s4] =	ssyncset.done $0x0;
	s15 =	sshll.u32 s14, $0xD  }
0x2a: {  	[sflag:s4] =	ssyncadd.s32 $0xFFFFE000;
	s18 =	sor.u32 $0x20, s15  }
0x2b: {  	s14 =	smul.u32 $0x8100, s14;
	v3 =	vld [tilespmem:s18+$0x10]  }
0x2c: {  	s30 =	sand.u32 $0x1, s11;
	v2 =	vld [tilespmem:s18+$0xFFFFFFF0]  }
0x2d: {  	s15 =	smul.u32 $0x8100, s30;
	s14 =	sshrl.u32 s14, $0x2;
	v0 =	vld [tilespmem:s18+$0x0]  }
0x2e: {  	v1 =	vld [tilespmem:s18+$0xFFFFFFE0];
	s16 =	sor.u32 $0x4000, s14  }
0x2f: {  	s31 =	sshrl.u32 s15, $0x2;
	s15 =	sadd.s32 $0x0, s16  }
0x30: {  	s17 =	simm.s32 $0x4;
	s18 =	sadd.s32 $0x40, s18;
	s14 =	sor.u32 $0x4000, s31;
	[tilespmem:s15+$0x1830 ss:$0x81] =	vst.msk $0xffff, v3  }
.LBB1_3:
0x31: {  	v3 =	vld [tilespmem:s18+$0x10];
	p1 =	sne.s32 s17, $0x1FC;
	[tilespmem:s15+$0x810 ss:$0x81] =	vst.msk $0xffff, v2;
	s19 =	smov.u32 s17;
	s17 =	sadd.s32 $0x4, s17  }
.Ltmp3:
0x32: {  	v2 =	vld [tilespmem:s18+$0xFFFFFFF0];
	[tilespmem:s15+$0x1020 ss:$0x81] =	vst.msk $0xffff, v0;
	(pc) =	sbr.rel @p1 .LBB1_3-.Ltmp3, $4  }
0x33: {  	v0 =	vld [tilespmem:s18+$0x0];
	[tilespmem:s15+$0x0 ss:$0x81] =	vst.msk $0xffff, v1  }
0x34: {  	s15 =	sshra.s32 s19, $0x2;
	v1 =	vld [tilespmem:s18+$0xFFFFFFE0]  }
0x35: {  	s15 =	sadd.s32 s15, s16  }
0x36: {  	s18 =	sadd.s32 $0x40, s18;
	[tilespmem:s15+$0x1830 ss:$0x81] =	vst.msk $0xffff, v3  }
.Ltmp4:
0x37: {  	_ = 	snop;
	(pc) =	sbr.rel .LBB1_4-.Ltmp4, $1  }
0x38: {  	_ =	sdelay $0x3  }
.LBB1_6:
0x39: {  	_ =	sfence.sel $0x180000  }
0x3a: {  	s2 =	simm.s32 $0x1;
	[bflag:$0x0] =	sbarrier.arrive $0xFFFF  }
0x3b: {  	s31 =	simm.s32 $0x2;
	[sflag:s2] =	ssyncpa.u1 $0x1  }
0x3c: {  	[sflag:s31] =	ssyncpa.u1 $0x1  }
0x3d: {  	p0 =	sne.s32 s0, $0x0;
	_ =	strace $0x9000004A  }
0x3e: {  	s0 =	sadd.s32 @!p0 $0x100000, s1;
	[bflag:$0x2] =	sbarrier.arrive $0xFFFF  }
0x3f: {  	[sflag:s0] =	ssyncadd.tile.s32 @!p0 $0x1;
	_ =	shalt  }
.Lfunc_end1:
_tile_overlayer_lowered:
.L_overlay_start_2:
0x40: {  	(tag) =	ssettag $0x2  }
0x41: {  	s0 =	rddreg [dreg:$0x0];
	s2 =	stileid.u32  }
0x42: {  	s1 =	rddreg [dreg:$0x1];
	p0 =	sne.s32 s2, $0x0  }
0x43: {  	s3 =	rddreg [dreg:$0x2];
	[bflag:$0x3] =	sbarrier.arrive $0xFFFF;
	s2 =	simm.s32 @!p0 $0x1C01  }
0x44: {  	[timem:s3], [sflag:s2] =	dma.local @!p0 [hbm:s0], s1  }
0x45: {  	s0 =	simm.s32 @!p0 $0x1  }
0x46: {  	_ =	swait.ge @!p0 [sflag:s0], s1  }
0x47: {  	s1 =	ssub.s32 @!p0 $0x0, s1;
	[sflag:s0] =	ssyncset.done @!p0 $0x0  }
0x48: {  	[sflag:s0] =	ssyncadd.s32 @!p0 s1  }
0x49: {  	[bflag:$0x3] =	sbarrier.arrive $0xFFFF  }
0x4a: {  	_ =	shalt  }

</sc_bundles>
